<compile_context>
chip_gen: v7x
topology: tpu7x:2x2x1
jax: 0.10.2.dev20260603
libtpu: 0.0.44.dev20260713+nightly
codegen_flags: <defaults>
</compile_context>

<pallas_src>
import functools

import jax
import jax.numpy as jnp
from jax import lax
from jax.experimental import pallas as pl
from jax.experimental.pallas import tpu as pltpu
from jax.experimental.pallas import tpu_sc as plsc

_B = 4096
_H = 200
_D = 32
_NW = 32
_ROWS_W = _B // _NW
_CB = 8
_NSTEP = _ROWS_W // _CB


def _body(x_hbm, tab_hbm, out_hbm, idx_v, rows_v, gsem0, gsem1, wsem0, wsem1):
    wid = lax.axis_index("s") * 2 + lax.axis_index("c")
    base = wid * _ROWS_W
    gsem = (gsem0, gsem1)
    wsem = (wsem0, wsem1)

    def _off(c):
        return pl.multiple_of(base + c * _CB, _CB)

    def gather(c, b):
        loc = pl.multiple_of(c * _CB, _CB)
        for r in range(_CB):
            pltpu.async_copy(
                tab_hbm.at[idx_v.at[loc + r, pl.ds(0, 128)]],
                rows_v.at[b, r, pl.ds(0, 128)],
                gsem[b],
            )
            pltpu.async_copy(
                tab_hbm.at[idx_v.at[loc + r, pl.ds(128, _H - 128)]],
                rows_v.at[b, r, pl.ds(128, _H - 128)],
                gsem[b],
            )

    def drain_gather(b):
        pltpu.make_async_copy(
            out_hbm.at[pl.ds(0, _CB)], rows_v.at[b], gsem[b]
        ).wait()

    def writeout(c, b):
        pltpu.async_copy(rows_v.at[b], out_hbm.at[pl.ds(_off(c), _CB)], wsem[b])

    def drain_writeout(b):
        pltpu.make_async_copy(
            rows_v.at[b], out_hbm.at[pl.ds(0, _CB)], wsem[b]
        ).wait()

    pltpu.sync_copy(x_hbm.at[pl.ds(base, _ROWS_W)], idx_v)

    gather(0, 0)
    drain_gather(0)
    writeout(0, 0)
    gather(1, 1)

    @pl.loop(1, _NSTEP // 2)
    def _(g):
        c = pl.multiple_of(2 * g, 2)
        drain_gather(1)
        writeout(c - 1, 1)
        drain_writeout(0)
        gather(c, 0)
        drain_gather(0)
        writeout(c, 0)
        drain_writeout(1)
        gather(c + 1, 1)

    drain_gather(1)
    writeout(_NSTEP - 1, 1)
    drain_writeout(0)
    drain_writeout(1)


@jax.jit
def kernel(x, embed):
    run = functools.partial(
        pl.kernel,
        mesh=plsc.VectorSubcoreMesh(core_axis_name="c", subcore_axis_name="s"),
        out_type=jax.ShapeDtypeStruct((_B, _H, _D), jnp.float32),
        scratch_types=[
            pltpu.VMEM((_ROWS_W, _H), jnp.int32),
            pltpu.VMEM((2, _CB, _H, _D), jnp.float32),
            pltpu.SemaphoreType.DMA,
            pltpu.SemaphoreType.DMA,
            pltpu.SemaphoreType.DMA,
            pltpu.SemaphoreType.DMA,
        ],
        compiler_params=pltpu.CompilerParams(use_tc_tiling_on_sc=False),
    )(_body)
    return run(x, embed)

# --- scband reference (transcript-rebuilt; emitter-appended) ---
"""Pipeline reference for scband-embedding-29841432772723 (READ-ONLY COPY).

The authoritative reference and input builder live on the scoring server;
editing this copy changes nothing except your own understanding.
"""

import jax, jax.numpy as jnp
import numpy as np

VOCAB = 1000000
EMBED_DIM = 32
BATCH = 4096
HIST = 200


def setup_inputs(seed: int = 0) -> dict:
    key = jax.random.key(seed)
    k_idx, k_emb = jax.random.split(key)
    x = jax.random.randint(k_idx, (BATCH, HIST), 0, VOCAB, dtype=jnp.int32)
    embed = jax.random.uniform(k_emb, (VOCAB, EMBED_DIM), minval=-0.1, maxval=0.1, dtype=jnp.float32)
    return {"x": x, "embed": embed}


def reference(x, embed):
    # torch.stack([index_select(embed, 0, idx) for idx in x]) == embed[x]
    return jnp.take(embed, x, axis=0)

if __name__ == "__main__":
    import jax
    _d = setup_inputs()
    print(jax.jit(kernel)(*tuple(_d.values())))

</pallas_src>

<mosaic_0001>
#map = affine_map<(d0, d1) -> (0, 0)>
#map1 = affine_map<(d0, d1) -> (0, 0, 0)>
module attributes {stable_mosaic.version = 14 : i64} {
  func.func @_body(%arg0: i32, %arg1: i32, %arg2: memref<4096x200xi32, #tpu.memory_space<hbm>>, %arg3: memref<1000000x32xf32, #tpu.memory_space<hbm>>, %arg4: memref<4096x200x32xf32, #tpu.memory_space<hbm>>, %arg5: memref<128x200xi32, #tpu.memory_space<vmem>>, %arg6: memref<2x8x200x32xf32, #tpu.memory_space<vmem>>, %arg7: memref<!tpu.dma_semaphore, #tpu.memory_space<semaphore_mem>>, %arg8: memref<!tpu.dma_semaphore, #tpu.memory_space<semaphore_mem>>, %arg9: memref<!tpu.dma_semaphore, #tpu.memory_space<semaphore_mem>>, %arg10: memref<!tpu.dma_semaphore, #tpu.memory_space<semaphore_mem>>) attributes {dimension_semantics = [#tpu.dimension_semantics<core_parallel>, #tpu.dimension_semantics<subcore_parallel>], iteration_bounds = array<i64: 2, 16>, scalar_prefetch = 0 : i64, scratch_operands = 6 : i64, tpu.core_type = #tpu.core_type<sc_vector_subcore>, window_params = [{transform_indices = #map}, {transform_indices = #map}, {transform_indices = #map1}]} {
    %mul3A = arith.constant 2 : i32
    %mul3A_0 = arith.muli %arg1, %mul3A : i32
    %add3A = arith.addi %mul3A_0, %arg0 : i32
    %mul3A_1 = arith.constant 128 : i32
    %mul3A_2 = arith.muli %add3A, %mul3A_1 : i32
    "tpu.region"() ({
      %run_scoped3A = tpu.sem_alloc : memref<!tpu.dma_semaphore, #tpu.memory_space<semaphore_mem>>
      %dma_start3A_572 = arith.constant 0 : i32
      %dma_start3A_573 = tpu.memref_slice %arg2[%mul3A_2, %dma_start3A_572] : memref<4096x200xi32, #tpu.memory_space<hbm>> -> memref<128x200xi32, #tpu.memory_space<hbm>>
      %dma_start3A_574 = arith.constant 0 : i32
      %dma_start3A_575 = tpu.memref_slice %arg2[%mul3A_2, %dma_start3A_574] : memref<4096x200xi32, #tpu.memory_space<hbm>> -> memref<128x200xi32, #tpu.memory_space<hbm>>
      tpu.enqueue_dma source(%dma_start3A_575 : memref<128x200xi32, #tpu.memory_space<hbm>>) target(%arg5 : memref<128x200xi32, #tpu.memory_space<vmem>>) target_semaphore(%run_scoped3A : memref<!tpu.dma_semaphore, #tpu.memory_space<semaphore_mem>>)
      %dma_wait3A_576 = arith.constant 0 : i32
      %dma_wait3A_577 = tpu.memref_slice %arg2[%mul3A_2, %dma_wait3A_576] : memref<4096x200xi32, #tpu.memory_space<hbm>> -> memref<128x200xi32, #tpu.memory_space<hbm>>
      %dma_wait3A_578 = arith.constant 0 : i32
      %dma_wait3A_579 = tpu.memref_slice %arg2[%mul3A_2, %dma_wait3A_578] : memref<4096x200xi32, #tpu.memory_space<hbm>> -> memref<128x200xi32, #tpu.memory_space<hbm>>
      tpu.wait_dma2 semaphore(%run_scoped3A : memref<!tpu.dma_semaphore, #tpu.memory_space<semaphore_mem>>) src(%dma_wait3A_579 : memref<128x200xi32, #tpu.memory_space<hbm>>) dst(%arg5 : memref<128x200xi32, #tpu.memory_space<vmem>>)
      tpu.yield
    }) : () -> ()
    %multiple_of3A = arith.constant 0 : i32
    %multiple_of3A_3 = tpu.assume_multiple %multiple_of3A, 8 : i32
    %add3A_4 = arith.constant 0 : i32
    %add3A_5 = arith.addi %multiple_of3A_3, %add3A_4 : i32
    %dma_start3A = arith.constant 0 : i32
    %dma_start3A_6 = arith.constant 0 : i32
    %dma_start3A_7 = arith.constant 0 : i32
    %dma_start3A_8 = arith.constant 0 : i32
    %dma_start3A_9 = tpu.memref_slice %arg6[%dma_start3A, %dma_start3A_6, %dma_start3A_7, %dma_start3A_8] : memref<2x8x200x32xf32, #tpu.memory_space<vmem>> -> memref<1x1x128x32xf32, #tpu.memory_space<vmem>>
    %dma_start3A_10 = tpu.memref_squeeze %dma_start3A_9 : memref<1x1x128x32xf32, #tpu.memory_space<vmem>> -> memref<128x32xf32, #tpu.memory_space<vmem>>
    %dma_start3A_11 = arith.constant 0 : i32
    %dma_start3A_12 = tpu.memref_slice %arg5[%add3A_5, %dma_start3A_11] : memref<128x200xi32, #tpu.memory_space<vmem>> -> memref<1x128xi32, #tpu.memory_space<vmem>>
    %dma_start3A_13 = tpu.memref_squeeze %dma_start3A_12 : memref<1x128xi32, #tpu.memory_space<vmem>> -> memref<128xi32, #tpu.memory_space<vmem>>
    %dma_start3A_14 = arith.constant 0 : i32
    %dma_start3A_15 = arith.constant 0 : i32
    %dma_start3A_16 = tpu.memref_slice %arg3[%dma_start3A_14, %dma_start3A_15] : memref<1000000x32xf32, #tpu.memory_space<hbm>> -> memref<1000000x32xf32, #tpu.memory_space<hbm>>
    tpu.enqueue_indirect_dma source(%dma_start3A_16 : memref<1000000x32xf32, #tpu.memory_space<hbm>>) target(%dma_start3A_10 : memref<128x32xf32, #tpu.memory_space<vmem>>) offsets(%dma_start3A_13 : memref<128xi32, #tpu.memory_space<vmem>>) semaphore(%arg7 : memref<!tpu.dma_semaphore, #tpu.memory_space<semaphore_mem>>)
    %add3A_17 = arith.constant 0 : i32
    %add3A_18 = arith.addi %multiple_of3A_3, %add3A_17 : i32
    %dma_start3A_19 = arith.constant 0 : i32
    %dma_start3A_20 = arith.constant 0 : i32
    %dma_start3A_21 = arith.constant 128 : i32
    %dma_start3A_22 = arith.constant 0 : i32
    %dma_start3A_23 = tpu.memref_slice %arg6[%dma_start3A_19, %dma_start3A_20, %dma_start3A_21, %dma_start3A_22] : memref<2x8x200x32xf32, #tpu.memory_space<vmem>> -> memref<1x1x72x32xf32, #tpu.memory_space<vmem>>
    %dma_start3A_24 = tpu.memref_squeeze %dma_start3A_23 : memref<1x1x72x32xf32, #tpu.memory_space<vmem>> -> memref<72x32xf32, #tpu.memory_space<vmem>>
    %dma_start3A_25 = arith.constant 128 : i32
    %dma_start3A_26 = tpu.memref_slice %arg5[%add3A_18, %dma_start3A_25] : memref<128x200xi32, #tpu.memory_space<vmem>> -> memref<1x72xi32, #tpu.memory_space<vmem>>
    %dma_start3A_27 = tpu.memref_squeeze %dma_start3A_26 : memref<1x72xi32, #tpu.memory_space<vmem>> -> memref<72xi32, #tpu.memory_space<vmem>>
    %dma_start3A_28 = arith.constant 0 : i32
    %dma_start3A_29 = arith.constant 0 : i32
    %dma_start3A_30 = tpu.memref_slice %arg3[%dma_start3A_28, %dma_start3A_29] : memref<1000000x32xf32, #tpu.memory_space<hbm>> -> memref<1000000x32xf32, #tpu.memory_space<hbm>>
    tpu.enqueue_indirect_dma source(%dma_start3A_30 : memref<1000000x32xf32, #tpu.memory_space<hbm>>) target(%dma_start3A_24 : memref<72x32xf32, #tpu.memory_space<vmem>>) offsets(%dma_start3A_27 : memref<72xi32, #tpu.memory_space<vmem>>) semaphore(%arg7 : memref<!tpu.dma_semaphore, #tpu.memory_space<semaphore_mem>>)
    %add3A_31 = arith.constant 1 : i32
    %add3A_32 = arith.addi %multiple_of3A_3, %add3A_31 : i32
    %dma_start3A_33 = arith.constant 0 : i32
    %dma_start3A_34 = arith.constant 1 : i32
    %dma_start3A_35 = arith.constant 0 : i32
    %dma_start3A_36 = arith.constant 0 : i32
    %dma_start3A_37 = tpu.memref_slice %arg6[%dma_start3A_33, %dma_start3A_34, %dma_start3A_35, %dma_start3A_36] : memref<2x8x200x32xf32, #tpu.memory_space<vmem>> -> memref<1x1x128x32xf32, #tpu.memory_space<vmem>>
    %dma_start3A_38 = tpu.memref_squeeze %dma_start3A_37 : memref<1x1x128x32xf32, #tpu.memory_space<vmem>> -> memref<128x32xf32, #tpu.memory_space<vmem>>
    %dma_start3A_39 = arith.constant 0 : i32
    %dma_start3A_40 = tpu.memref_slice %arg5[%add3A_32, %dma_start3A_39] : memref<128x200xi32, #tpu.memory_space<vmem>> -> memref<1x128xi32, #tpu.memory_space<vmem>>
    %dma_start3A_41 = tpu.memref_squeeze %dma_start3A_40 : memref<1x128xi32, #tpu.memory_space<vmem>> -> memref<128xi32, #tpu.memory_space<vmem>>
    %dma_start3A_42 = arith.constant 0 : i32
    %dma_start3A_43 = arith.constant 0 : i32
    %dma_start3A_44 = tpu.memref_slice %arg3[%dma_start3A_42, %dma_start3A_43] : memref<1000000x32xf32, #tpu.memory_space<hbm>> -> memref<1000000x32xf32, #tpu.memory_space<hbm>>
    tpu.enqueue_indirect_dma source(%dma_start3A_44 : memref<1000000x32xf32, #tpu.memory_space<hbm>>) target(%dma_start3A_38 : memref<128x32xf32, #tpu.memory_space<vmem>>) offsets(%dma_start3A_41 : memref<128xi32, #tpu.memory_space<vmem>>) semaphore(%arg7 : memref<!tpu.dma_semaphore, #tpu.memory_space<semaphore_mem>>)
    %add3A_45 = arith.constant 1 : i32
    %add3A_46 = arith.addi %multiple_of3A_3, %add3A_45 : i32
    %dma_start3A_47 = arith.constant 0 : i32
    %dma_start3A_48 = arith.constant 1 : i32
    %dma_start3A_49 = arith.constant 128 : i32
    %dma_start3A_50 = arith.constant 0 : i32
    %dma_start3A_51 = tpu.memref_slice %arg6[%dma_start3A_47, %dma_start3A_48, %dma_start3A_49, %dma_start3A_50] : memref<2x8x200x32xf32, #tpu.memory_space<vmem>> -> memref<1x1x72x32xf32, #tpu.memory_space<vmem>>
    %dma_start3A_52 = tpu.memref_squeeze %dma_start3A_51 : memref<1x1x72x32xf32, #tpu.memory_space<vmem>> -> memref<72x32xf32, #tpu.memory_space<vmem>>
    %dma_start3A_53 = arith.constant 128 : i32
    %dma_start3A_54 = tpu.memref_slice %arg5[%add3A_46, %dma_start3A_53] : memref<128x200xi32, #tpu.memory_space<vmem>> -> memref<1x72xi32, #tpu.memory_space<vmem>>
    %dma_start3A_55 = tpu.memref_squeeze %dma_start3A_54 : memref<1x72xi32, #tpu.memory_space<vmem>> -> memref<72xi32, #tpu.memory_space<vmem>>
    %dma_start3A_56 = arith.constant 0 : i32
    %dma_start3A_57 = arith.constant 0 : i32
    %dma_start3A_58 = tpu.memref_slice %arg3[%dma_start3A_56, %dma_start3A_57] : memref<1000000x32xf32, #tpu.memory_space<hbm>> -> memref<1000000x32xf32, #tpu.memory_space<hbm>>
    tpu.enqueue_indirect_dma source(%dma_start3A_58 : memref<1000000x32xf32, #tpu.memory_space<hbm>>) target(%dma_start3A_52 : memref<72x32xf32, #tpu.memory_space<vmem>>) offsets(%dma_start3A_55 : memref<72xi32, #tpu.memory_space<vmem>>) semaphore(%arg7 : memref<!tpu.dma_semaphore, #tpu.memory_space<semaphore_mem>>)
    %add3A_59 = arith.constant 2 : i32
    %add3A_60 = arith.addi %multiple_of3A_3, %add3A_59 : i32
    %dma_start3A_61 = arith.constant 0 : i32
    %dma_start3A_62 = arith.constant 2 : i32
    %dma_start3A_63 = arith.constant 0 : i32
    %dma_start3A_64 = arith.constant 0 : i32
    %dma_start3A_65 = tpu.memref_slice %arg6[%dma_start3A_61, %dma_start3A_62, %dma_start3A_63, %dma_start3A_64] : memref<2x8x200x32xf32, #tpu.memory_space<vmem>> -> memref<1x1x128x32xf32, #tpu.memory_space<vmem>>
    %dma_start3A_66 = tpu.memref_squeeze %dma_start3A_65 : memref<1x1x128x32xf32, #tpu.memory_space<vmem>> -> memref<128x32xf32, #tpu.memory_space<vmem>>
    %dma_start3A_67 = arith.constant 0 : i32
    %dma_start3A_68 = tpu.memref_slice %arg5[%add3A_60, %dma_start3A_67] : memref<128x200xi32, #tpu.memory_space<vmem>> -> memref<1x128xi32, #tpu.memory_space<vmem>>
    %dma_start3A_69 = tpu.memref_squeeze %dma_start3A_68 : memref<1x128xi32, #tpu.memory_space<vmem>> -> memref<128xi32, #tpu.memory_space<vmem>>
    %dma_start3A_70 = arith.constant 0 : i32
    %dma_start3A_71 = arith.constant 0 : i32
    %dma_start3A_72 = tpu.memref_slice %arg3[%dma_start3A_70, %dma_start3A_71] : memref<1000000x32xf32, #tpu.memory_space<hbm>> -> memref<1000000x32xf32, #tpu.memory_space<hbm>>
    tpu.enqueue_indirect_dma source(%dma_start3A_72 : memref<1000000x32xf32, #tpu.memory_space<hbm>>) target(%dma_start3A_66 : memref<128x32xf32, #tpu.memory_space<vmem>>) offsets(%dma_start3A_69 : memref<128xi32, #tpu.memory_space<vmem>>) semaphore(%arg7 : memref<!tpu.dma_semaphore, #tpu.memory_space<semaphore_mem>>)
    %add3A_73 = arith.constant 2 : i32
    %add3A_74 = arith.addi %multiple_of3A_3, %add3A_73 : i32
    %dma_start3A_75 = arith.constant 0 : i32
    %dma_start3A_76 = arith.constant 2 : i32
    %dma_start3A_77 = arith.constant 128 : i32
    %dma_start3A_78 = arith.constant 0 : i32
    %dma_start3A_79 = tpu.memref_slice %arg6[%dma_start3A_75, %dma_start3A_76, %dma_start3A_77, %dma_start3A_78] : memref<2x8x200x32xf32, #tpu.memory_space<vmem>> -> memref<1x1x72x32xf32, #tpu.memory_space<vmem>>
    %dma_start3A_80 = tpu.memref_squeeze %dma_start3A_79 : memref<1x1x72x32xf32, #tpu.memory_space<vmem>> -> memref<72x32xf32, #tpu.memory_space<vmem>>
    %dma_start3A_81 = arith.constant 128 : i32
    %dma_start3A_82 = tpu.memref_slice %arg5[%add3A_74, %dma_start3A_81] : memref<128x200xi32, #tpu.memory_space<vmem>> -> memref<1x72xi32, #tpu.memory_space<vmem>>
    %dma_start3A_83 = tpu.memref_squeeze %dma_start3A_82 : memref<1x72xi32, #tpu.memory_space<vmem>> -> memref<72xi32, #tpu.memory_space<vmem>>
    %dma_start3A_84 = arith.constant 0 : i32
    %dma_start3A_85 = arith.constant 0 : i32
    %dma_start3A_86 = tpu.memref_slice %arg3[%dma_start3A_84, %dma_start3A_85] : memref<1000000x32xf32, #tpu.memory_space<hbm>> -> memref<1000000x32xf32, #tpu.memory_space<hbm>>
    tpu.enqueue_indirect_dma source(%dma_start3A_86 : memref<1000000x32xf32, #tpu.memory_space<hbm>>) target(%dma_start3A_80 : memref<72x32xf32, #tpu.memory_space<vmem>>) offsets(%dma_start3A_83 : memref<72xi32, #tpu.memory_space<vmem>>) semaphore(%arg7 : memref<!tpu.dma_semaphore, #tpu.memory_space<semaphore_mem>>)
    %add3A_87 = arith.constant 3 : i32
    %add3A_88 = arith.addi %multiple_of3A_3, %add3A_87 : i32
    %dma_start3A_89 = arith.constant 0 : i32
    %dma_start3A_90 = arith.constant 3 : i32
    %dma_start3A_91 = arith.constant 0 : i32
    %dma_start3A_92 = arith.constant 0 : i32
    %dma_start3A_93 = tpu.memref_slice %arg6[%dma_start3A_89, %dma_start3A_90, %dma_start3A_91, %dma_start3A_92] : memref<2x8x200x32xf32, #tpu.memory_space<vmem>> -> memref<1x1x128x32xf32, #tpu.memory_space<vmem>>
    %dma_start3A_94 = tpu.memref_squeeze %dma_start3A_93 : memref<1x1x128x32xf32, #tpu.memory_space<vmem>> -> memref<128x32xf32, #tpu.memory_space<vmem>>
    %dma_start3A_95 = arith.constant 0 : i32
    %dma_start3A_96 = tpu.memref_slice %arg5[%add3A_88, %dma_start3A_95] : memref<128x200xi32, #tpu.memory_space<vmem>> -> memref<1x128xi32, #tpu.memory_space<vmem>>
    %dma_start3A_97 = tpu.memref_squeeze %dma_start3A_96 : memref<1x128xi32, #tpu.memory_space<vmem>> -> memref<128xi32, #tpu.memory_space<vmem>>
    %dma_start3A_98 = arith.constant 0 : i32
    %dma_start3A_99 = arith.constant 0 : i32
    %dma_start3A_100 = tpu.memref_slice %arg3[%dma_start3A_98, %dma_start3A_99] : memref<1000000x32xf32, #tpu.memory_space<hbm>> -> memref<1000000x32xf32, #tpu.memory_space<hbm>>
    tpu.enqueue_indirect_dma source(%dma_start3A_100 : memref<1000000x32xf32, #tpu.memory_space<hbm>>) target(%dma_start3A_94 : memref<128x32xf32, #tpu.memory_space<vmem>>) offsets(%dma_start3A_97 : memref<128xi32, #tpu.memory_space<vmem>>) semaphore(%arg7 : memref<!tpu.dma_semaphore, #tpu.memory_space<semaphore_mem>>)
    %add3A_101 = arith.constant 3 : i32
    %add3A_102 = arith.addi %multiple_of3A_3, %add3A_101 : i32
    %dma_start3A_103 = arith.constant 0 : i32
    %dma_start3A_104 = arith.constant 3 : i32
    %dma_start3A_105 = arith.constant 128 : i32
    %dma_start3A_106 = arith.constant 0 : i32
    %dma_start3A_107 = tpu.memref_slice %arg6[%dma_start3A_103, %dma_start3A_104, %dma_start3A_105, %dma_start3A_106] : memref<2x8x200x32xf32, #tpu.memory_space<vmem>> -> memref<1x1x72x32xf32, #tpu.memory_space<vmem>>
    %dma_start3A_108 = tpu.memref_squeeze %dma_start3A_107 : memref<1x1x72x32xf32, #tpu.memory_space<vmem>> -> memref<72x32xf32, #tpu.memory_space<vmem>>
    %dma_start3A_109 = arith.constant 128 : i32
    %dma_start3A_110 = tpu.memref_slice %arg5[%add3A_102, %dma_start3A_109] : memref<128x200xi32, #tpu.memory_space<vmem>> -> memref<1x72xi32, #tpu.memory_space<vmem>>
    %dma_start3A_111 = tpu.memref_squeeze %dma_start3A_110 : memref<1x72xi32, #tpu.memory_space<vmem>> -> memref<72xi32, #tpu.memory_space<vmem>>
    %dma_start3A_112 = arith.constant 0 : i32
    %dma_start3A_113 = arith.constant 0 : i32
    %dma_start3A_114 = tpu.memref_slice %arg3[%dma_start3A_112, %dma_start3A_113] : memref<1000000x32xf32, #tpu.memory_space<hbm>> -> memref<1000000x32xf32, #tpu.memory_space<hbm>>
    tpu.enqueue_indirect_dma source(%dma_start3A_114 : memref<1000000x32xf32, #tpu.memory_space<hbm>>) target(%dma_start3A_108 : memref<72x32xf32, #tpu.memory_space<vmem>>) offsets(%dma_start3A_111 : memref<72xi32, #tpu.memory_space<vmem>>) semaphore(%arg7 : memref<!tpu.dma_semaphore, #tpu.memory_space<semaphore_mem>>)
    %add3A_115 = arith.constant 4 : i32
    %add3A_116 = arith.addi %multiple_of3A_3, %add3A_115 : i32
    %dma_start3A_117 = arith.constant 0 : i32
    %dma_start3A_118 = arith.constant 4 : i32
    %dma_start3A_119 = arith.constant 0 : i32
    %dma_start3A_120 = arith.constant 0 : i32
    %dma_start3A_121 = tpu.memref_slice %arg6[%dma_start3A_117, %dma_start3A_118, %dma_start3A_119, %dma_start3A_120] : memref<2x8x200x32xf32, #tpu.memory_space<vmem>> -> memref<1x1x128x32xf32, #tpu.memory_space<vmem>>
    %dma_start3A_122 = tpu.memref_squeeze %dma_start3A_121 : memref<1x1x128x32xf32, #tpu.memory_space<vmem>> -> memref<128x32xf32, #tpu.memory_space<vmem>>
    %dma_start3A_123 = arith.constant 0 : i32
    %dma_start3A_124 = tpu.memref_slice %arg5[%add3A_116, %dma_start3A_123] : memref<128x200xi32, #tpu.memory_space<vmem>> -> memref<1x128xi32, #tpu.memory_space<vmem>>
    %dma_start3A_125 = tpu.memref_squeeze %dma_start3A_124 : memref<1x128xi32, #tpu.memory_space<vmem>> -> memref<128xi32, #tpu.memory_space<vmem>>
    %dma_start3A_126 = arith.constant 0 : i32
    %dma_start3A_127 = arith.constant 0 : i32
    %dma_start3A_128 = tpu.memref_slice %arg3[%dma_start3A_126, %dma_start3A_127] : memref<1000000x32xf32, #tpu.memory_space<hbm>> -> memref<1000000x32xf32, #tpu.memory_space<hbm>>
    tpu.enqueue_indirect_dma source(%dma_start3A_128 : memref<1000000x32xf32, #tpu.memory_space<hbm>>) target(%dma_start3A_122 : memref<128x32xf32, #tpu.memory_space<vmem>>) offsets(%dma_start3A_125 : memref<128xi32, #tpu.memory_space<vmem>>) semaphore(%arg7 : memref<!tpu.dma_semaphore, #tpu.memory_space<semaphore_mem>>)
    %add3A_129 = arith.constant 4 : i32
    %add3A_130 = arith.addi %multiple_of3A_3, %add3A_129 : i32
    %dma_start3A_131 = arith.constant 0 : i32
    %dma_start3A_132 = arith.constant 4 : i32
    %dma_start3A_133 = arith.constant 128 : i32
    %dma_start3A_134 = arith.constant 0 : i32
    %dma_start3A_135 = tpu.memref_slice %arg6[%dma_start3A_131, %dma_start3A_132, %dma_start3A_133, %dma_start3A_134] : memref<2x8x200x32xf32, #tpu.memory_space<vmem>> -> memref<1x1x72x32xf32, #tpu.memory_space<vmem>>
    %dma_start3A_136 = tpu.memref_squeeze %dma_start3A_135 : memref<1x1x72x32xf32, #tpu.memory_space<vmem>> -> memref<72x32xf32, #tpu.memory_space<vmem>>
    %dma_start3A_137 = arith.constant 128 : i32
    %dma_start3A_138 = tpu.memref_slice %arg5[%add3A_130, %dma_start3A_137] : memref<128x200xi32, #tpu.memory_space<vmem>> -> memref<1x72xi32, #tpu.memory_space<vmem>>
    %dma_start3A_139 = tpu.memref_squeeze %dma_start3A_138 : memref<1x72xi32, #tpu.memory_space<vmem>> -> memref<72xi32, #tpu.memory_space<vmem>>
    %dma_start3A_140 = arith.constant 0 : i32
    %dma_start3A_141 = arith.constant 0 : i32
    %dma_start3A_142 = tpu.memref_slice %arg3[%dma_start3A_140, %dma_start3A_141] : memref<1000000x32xf32, #tpu.memory_space<hbm>> -> memref<1000000x32xf32, #tpu.memory_space<hbm>>
    tpu.enqueue_indirect_dma source(%dma_start3A_142 : memref<1000000x32xf32, #tpu.memory_space<hbm>>) target(%dma_start3A_136 : memref<72x32xf32, #tpu.memory_space<vmem>>) offsets(%dma_start3A_139 : memref<72xi32, #tpu.memory_space<vmem>>) semaphore(%arg7 : memref<!tpu.dma_semaphore, #tpu.memory_space<semaphore_mem>>)
    %add3A_143 = arith.constant 5 : i32
    %add3A_144 = arith.addi %multiple_of3A_3, %add3A_143 : i32
    %dma_start3A_145 = arith.constant 0 : i32
    %dma_start3A_146 = arith.constant 5 : i32
    %dma_start3A_147 = arith.constant 0 : i32
    %dma_start3A_148 = arith.constant 0 : i32
    %dma_start3A_149 = tpu.memref_slice %arg6[%dma_start3A_145, %dma_start3A_146, %dma_start3A_147, %dma_start3A_148] : memref<2x8x200x32xf32, #tpu.memory_space<vmem>> -> memref<1x1x128x32xf32, #tpu.memory_space<vmem>>
    %dma_start3A_150 = tpu.memref_squeeze %dma_start3A_149 : memref<1x1x128x32xf32, #tpu.memory_space<vmem>> -> memref<128x32xf32, #tpu.memory_space<vmem>>
    %dma_start3A_151 = arith.constant 0 : i32
    %dma_start3A_152 = tpu.memref_slice %arg5[%add3A_144, %dma_start3A_151] : memref<128x200xi32, #tpu.memory_space<vmem>> -> memref<1x128xi32, #tpu.memory_space<vmem>>
    %dma_start3A_153 = tpu.memref_squeeze %dma_start3A_152 : memref<1x128xi32, #tpu.memory_space<vmem>> -> memref<128xi32, #tpu.memory_space<vmem>>
    %dma_start3A_154 = arith.constant 0 : i32
    %dma_start3A_155 = arith.constant 0 : i32
    %dma_start3A_156 = tpu.memref_slice %arg3[%dma_start3A_154, %dma_start3A_155] : memref<1000000x32xf32, #tpu.memory_space<hbm>> -> memref<1000000x32xf32, #tpu.memory_space<hbm>>
    tpu.enqueue_indirect_dma source(%dma_start3A_156 : memref<1000000x32xf32, #tpu.memory_space<hbm>>) target(%dma_start3A_150 : memref<128x32xf32, #tpu.memory_space<vmem>>) offsets(%dma_start3A_153 : memref<128xi32, #tpu.memory_space<vmem>>) semaphore(%arg7 : memref<!tpu.dma_semaphore, #tpu.memory_space<semaphore_mem>>)
    %add3A_157 = arith.constant 5 : i32
    %add3A_158 = arith.addi %multiple_of3A_3, %add3A_157 : i32
    %dma_start3A_159 = arith.constant 0 : i32
    %dma_start3A_160 = arith.constant 5 : i32
    %dma_start3A_161 = arith.constant 128 : i32
    %dma_start3A_162 = arith.constant 0 : i32
    %dma_start3A_163 = tpu.memref_slice %arg6[%dma_start3A_159, %dma_start3A_160, %dma_start3A_161, %dma_start3A_162] : memref<2x8x200x32xf32, #tpu.memory_space<vmem>> -> memref<1x1x72x32xf32, #tpu.memory_space<vmem>>
    %dma_start3A_164 = tpu.memref_squeeze %dma_start3A_163 : memref<1x1x72x32xf32, #tpu.memory_space<vmem>> -> memref<72x32xf32, #tpu.memory_space<vmem>>
    %dma_start3A_165 = arith.constant 128 : i32
    %dma_start3A_166 = tpu.memref_slice %arg5[%add3A_158, %dma_start3A_165] : memref<128x200xi32, #tpu.memory_space<vmem>> -> memref<1x72xi32, #tpu.memory_space<vmem>>
    %dma_start3A_167 = tpu.memref_squeeze %dma_start3A_166 : memref<1x72xi32, #tpu.memory_space<vmem>> -> memref<72xi32, #tpu.memory_space<vmem>>
    %dma_start3A_168 = arith.constant 0 : i32
    %dma_start3A_169 = arith.constant 0 : i32
    %dma_start3A_170 = tpu.memref_slice %arg3[%dma_start3A_168, %dma_start3A_169] : memref<1000000x32xf32, #tpu.memory_space<hbm>> -> memref<1000000x32xf32, #tpu.memory_space<hbm>>
    tpu.enqueue_indirect_dma source(%dma_start3A_170 : memref<1000000x32xf32, #tpu.memory_space<hbm>>) target(%dma_start3A_164 : memref<72x32xf32, #tpu.memory_space<vmem>>) offsets(%dma_start3A_167 : memref<72xi32, #tpu.memory_space<vmem>>) semaphore(%arg7 : memref<!tpu.dma_semaphore, #tpu.memory_space<semaphore_mem>>)
    %add3A_171 = arith.constant 6 : i32
    %add3A_172 = arith.addi %multiple_of3A_3, %add3A_171 : i32
    %dma_start3A_173 = arith.constant 0 : i32
    %dma_start3A_174 = arith.constant 6 : i32
    %dma_start3A_175 = arith.constant 0 : i32
    %dma_start3A_176 = arith.constant 0 : i32
    %dma_start3A_177 = tpu.memref_slice %arg6[%dma_start3A_173, %dma_start3A_174, %dma_start3A_175, %dma_start3A_176] : memref<2x8x200x32xf32, #tpu.memory_space<vmem>> -> memref<1x1x128x32xf32, #tpu.memory_space<vmem>>
    %dma_start3A_178 = tpu.memref_squeeze %dma_start3A_177 : memref<1x1x128x32xf32, #tpu.memory_space<vmem>> -> memref<128x32xf32, #tpu.memory_space<vmem>>
    %dma_start3A_179 = arith.constant 0 : i32
    %dma_start3A_180 = tpu.memref_slice %arg5[%add3A_172, %dma_start3A_179] : memref<128x200xi32, #tpu.memory_space<vmem>> -> memref<1x128xi32, #tpu.memory_space<vmem>>
    %dma_start3A_181 = tpu.memref_squeeze %dma_start3A_180 : memref<1x128xi32, #tpu.memory_space<vmem>> -> memref<128xi32, #tpu.memory_space<vmem>>
    %dma_start3A_182 = arith.constant 0 : i32
    %dma_start3A_183 = arith.constant 0 : i32
    %dma_start3A_184 = tpu.memref_slice %arg3[%dma_start3A_182, %dma_start3A_183] : memref<1000000x32xf32, #tpu.memory_space<hbm>> -> memref<1000000x32xf32, #tpu.memory_space<hbm>>
    tpu.enqueue_indirect_dma source(%dma_start3A_184 : memref<1000000x32xf32, #tpu.memory_space<hbm>>) target(%dma_start3A_178 : memref<128x32xf32, #tpu.memory_space<vmem>>) offsets(%dma_start3A_181 : memref<128xi32, #tpu.memory_space<vmem>>) semaphore(%arg7 : memref<!tpu.dma_semaphore, #tpu.memory_space<semaphore_mem>>)
    %add3A_185 = arith.constant 6 : i32
    %add3A_186 = arith.addi %multiple_of3A_3, %add3A_185 : i32
    %dma_start3A_187 = arith.constant 0 : i32
    %dma_start3A_188 = arith.constant 6 : i32
    %dma_start3A_189 = arith.constant 128 : i32
    %dma_start3A_190 = arith.constant 0 : i32
    %dma_start3A_191 = tpu.memref_slice %arg6[%dma_start3A_187, %dma_start3A_188, %dma_start3A_189, %dma_start3A_190] : memref<2x8x200x32xf32, #tpu.memory_space<vmem>> -> memref<1x1x72x32xf32, #tpu.memory_space<vmem>>
    %dma_start3A_192 = tpu.memref_squeeze %dma_start3A_191 : memref<1x1x72x32xf32, #tpu.memory_space<vmem>> -> memref<72x32xf32, #tpu.memory_space<vmem>>
    %dma_start3A_193 = arith.constant 128 : i32
    %dma_start3A_194 = tpu.memref_slice %arg5[%add3A_186, %dma_start3A_193] : memref<128x200xi32, #tpu.memory_space<vmem>> -> memref<1x72xi32, #tpu.memory_space<vmem>>
    %dma_start3A_195 = tpu.memref_squeeze %dma_start3A_194 : memref<1x72xi32, #tpu.memory_space<vmem>> -> memref<72xi32, #tpu.memory_space<vmem>>
    %dma_start3A_196 = arith.constant 0 : i32
    %dma_start3A_197 = arith.constant 0 : i32
    %dma_start3A_198 = tpu.memref_slice %arg3[%dma_start3A_196, %dma_start3A_197] : memref<1000000x32xf32, #tpu.memory_space<hbm>> -> memref<1000000x32xf32, #tpu.memory_space<hbm>>
    tpu.enqueue_indirect_dma source(%dma_start3A_198 : memref<1000000x32xf32, #tpu.memory_space<hbm>>) target(%dma_start3A_192 : memref<72x32xf32, #tpu.memory_space<vmem>>) offsets(%dma_start3A_195 : memref<72xi32, #tpu.memory_space<vmem>>) semaphore(%arg7 : memref<!tpu.dma_semaphore, #tpu.memory_space<semaphore_mem>>)
    %add3A_199 = arith.constant 7 : i32
    %add3A_200 = arith.addi %multiple_of3A_3, %add3A_199 : i32
    %dma_start3A_201 = arith.constant 0 : i32
    %dma_start3A_202 = arith.constant 7 : i32
    %dma_start3A_203 = arith.constant 0 : i32
    %dma_start3A_204 = arith.constant 0 : i32
    %dma_start3A_205 = tpu.memref_slice %arg6[%dma_start3A_201, %dma_start3A_202, %dma_start3A_203, %dma_start3A_204] : memref<2x8x200x32xf32, #tpu.memory_space<vmem>> -> memref<1x1x128x32xf32, #tpu.memory_space<vmem>>
    %dma_start3A_206 = tpu.memref_squeeze %dma_start3A_205 : memref<1x1x128x32xf32, #tpu.memory_space<vmem>> -> memref<128x32xf32, #tpu.memory_space<vmem>>
    %dma_start3A_207 = arith.constant 0 : i32
    %dma_start3A_208 = tpu.memref_slice %arg5[%add3A_200, %dma_start3A_207] : memref<128x200xi32, #tpu.memory_space<vmem>> -> memref<1x128xi32, #tpu.memory_space<vmem>>
    %dma_start3A_209 = tpu.memref_squeeze %dma_start3A_208 : memref<1x128xi32, #tpu.memory_space<vmem>> -> memref<128xi32, #tpu.memory_space<vmem>>
    %dma_start3A_210 = arith.constant 0 : i32
    %dma_start3A_211 = arith.constant 0 : i32
    %dma_start3A_212 = tpu.memref_slice %arg3[%dma_start3A_210, %dma_start3A_211] : memref<1000000x32xf32, #tpu.memory_space<hbm>> -> memref<1000000x32xf32, #tpu.memory_space<hbm>>
    tpu.enqueue_indirect_dma source(%dma_start3A_212 : memref<1000000x32xf32, #tpu.memory_space<hbm>>) target(%dma_start3A_206 : memref<128x32xf32, #tpu.memory_space<vmem>>) offsets(%dma_start3A_209 : memref<128xi32, #tpu.memory_space<vmem>>) semaphore(%arg7 : memref<!tpu.dma_semaphore, #tpu.memory_space<semaphore_mem>>)
    %add3A_213 = arith.constant 7 : i32
    %add3A_214 = arith.addi %multiple_of3A_3, %add3A_213 : i32
    %dma_start3A_215 = arith.constant 0 : i32
    %dma_start3A_216 = arith.constant 7 : i32
    %dma_start3A_217 = arith.constant 128 : i32
    %dma_start3A_218 = arith.constant 0 : i32
    %dma_start3A_219 = tpu.memref_slice %arg6[%dma_start3A_215, %dma_start3A_216, %dma_start3A_217, %dma_start3A_218] : memref<2x8x200x32xf32, #tpu.memory_space<vmem>> -> memref<1x1x72x32xf32, #tpu.memory_space<vmem>>
    %dma_start3A_220 = tpu.memref_squeeze %dma_start3A_219 : memref<1x1x72x32xf32, #tpu.memory_space<vmem>> -> memref<72x32xf32, #tpu.memory_space<vmem>>
    %dma_start3A_221 = arith.constant 128 : i32
    %dma_start3A_222 = tpu.memref_slice %arg5[%add3A_214, %dma_start3A_221] : memref<128x200xi32, #tpu.memory_space<vmem>> -> memref<1x72xi32, #tpu.memory_space<vmem>>
    %dma_start3A_223 = tpu.memref_squeeze %dma_start3A_222 : memref<1x72xi32, #tpu.memory_space<vmem>> -> memref<72xi32, #tpu.memory_space<vmem>>
    %dma_start3A_224 = arith.constant 0 : i32
    %dma_start3A_225 = arith.constant 0 : i32
    %dma_start3A_226 = tpu.memref_slice %arg3[%dma_start3A_224, %dma_start3A_225] : memref<1000000x32xf32, #tpu.memory_space<hbm>> -> memref<1000000x32xf32, #tpu.memory_space<hbm>>
    tpu.enqueue_indirect_dma source(%dma_start3A_226 : memref<1000000x32xf32, #tpu.memory_space<hbm>>) target(%dma_start3A_220 : memref<72x32xf32, #tpu.memory_space<vmem>>) offsets(%dma_start3A_223 : memref<72xi32, #tpu.memory_space<vmem>>) semaphore(%arg7 : memref<!tpu.dma_semaphore, #tpu.memory_space<semaphore_mem>>)
    %dma_wait3A = arith.constant 0 : i32
    %dma_wait3A_227 = arith.constant 0 : i32
    %dma_wait3A_228 = arith.constant 0 : i32
    %dma_wait3A_229 = arith.constant 0 : i32
    %dma_wait3A_230 = tpu.memref_slice %arg6[%dma_wait3A, %dma_wait3A_227, %dma_wait3A_228, %dma_wait3A_229] : memref<2x8x200x32xf32, #tpu.memory_space<vmem>> -> memref<1x8x200x32xf32, #tpu.memory_space<vmem>>
    %dma_wait3A_231 = tpu.memref_squeeze %dma_wait3A_230 : memref<1x8x200x32xf32, #tpu.memory_space<vmem>> -> memref<8x200x32xf32, #tpu.memory_space<vmem>>
    %dma_wait3A_232 = arith.constant 0 : i32
    %dma_wait3A_233 = arith.constant 0 : i32
    %dma_wait3A_234 = arith.constant 0 : i32
    %dma_wait3A_235 = tpu.memref_slice %arg4[%dma_wait3A_232, %dma_wait3A_233, %dma_wait3A_234] : memref<4096x200x32xf32, #tpu.memory_space<hbm>> -> memref<8x200x32xf32, #tpu.memory_space<hbm>>
    %dma_wait3A_236 = arith.constant 0 : i32
    %dma_wait3A_237 = arith.constant 0 : i32
    %dma_wait3A_238 = arith.constant 0 : i32
    %dma_wait3A_239 = tpu.memref_slice %arg6[%dma_wait3A, %dma_wait3A_236, %dma_wait3A_237, %dma_wait3A_238] : memref<2x8x200x32xf32, #tpu.memory_space<vmem>> -> memref<1x8x200x32xf32, #tpu.memory_space<vmem>>
    %dma_wait3A_240 = tpu.memref_squeeze %dma_wait3A_239 : memref<1x8x200x32xf32, #tpu.memory_space<vmem>> -> memref<8x200x32xf32, #tpu.memory_space<vmem>>
    %dma_wait3A_241 = arith.constant 0 : i32
    %dma_wait3A_242 = arith.constant 0 : i32
    %dma_wait3A_243 = arith.constant 0 : i32
    %dma_wait3A_244 = tpu.memref_slice %arg4[%dma_wait3A_241, %dma_wait3A_242, %dma_wait3A_243] : memref<4096x200x32xf32, #tpu.memory_space<hbm>> -> memref<8x200x32xf32, #tpu.memory_space<hbm>>
    tpu.wait_dma2 semaphore(%arg7 : memref<!tpu.dma_semaphore, #tpu.memory_space<semaphore_mem>>) src(%dma_wait3A_244 : memref<8x200x32xf32, #tpu.memory_space<hbm>>) dst(%dma_wait3A_240 : memref<8x200x32xf32, #tpu.memory_space<vmem>>)
    %add3A_245 = arith.constant 0 : i32
    %add3A_246 = arith.addi %mul3A_2, %add3A_245 : i32
    %multiple_of3A_247 = tpu.assume_multiple %add3A_246, 8 : i32
    %dma_start3A_248 = arith.constant 0 : i32
    %dma_start3A_249 = arith.constant 0 : i32
    %dma_start3A_250 = arith.constant 0 : i32
    %dma_start3A_251 = arith.constant 0 : i32
    %dma_start3A_252 = tpu.memref_slice %arg6[%dma_start3A_248, %dma_start3A_249, %dma_start3A_250, %dma_start3A_251] : memref<2x8x200x32xf32, #tpu.memory_space<vmem>> -> memref<1x8x200x32xf32, #tpu.memory_space<vmem>>
    %dma_start3A_253 = tpu.memref_squeeze %dma_start3A_252 : memref<1x8x200x32xf32, #tpu.memory_space<vmem>> -> memref<8x200x32xf32, #tpu.memory_space<vmem>>
    %dma_start3A_254 = arith.constant 0 : i32
    %dma_start3A_255 = arith.constant 0 : i32
    %dma_start3A_256 = tpu.memref_slice %arg4[%multiple_of3A_247, %dma_start3A_254, %dma_start3A_255] : memref<4096x200x32xf32, #tpu.memory_space<hbm>> -> memref<8x200x32xf32, #tpu.memory_space<hbm>>
    %dma_start3A_257 = arith.constant 0 : i32
    %dma_start3A_258 = arith.constant 0 : i32
    %dma_start3A_259 = tpu.memref_slice %arg4[%multiple_of3A_247, %dma_start3A_257, %dma_start3A_258] : memref<4096x200x32xf32, #tpu.memory_space<hbm>> -> memref<8x200x32xf32, #tpu.memory_space<hbm>>
    %dma_start3A_260 = arith.constant 0 : i32
    %dma_start3A_261 = arith.constant 0 : i32
    %dma_start3A_262 = arith.constant 0 : i32
    %dma_start3A_263 = tpu.memref_slice %arg6[%dma_start3A_248, %dma_start3A_260, %dma_start3A_261, %dma_start3A_262] : memref<2x8x200x32xf32, #tpu.memory_space<vmem>> -> memref<1x8x200x32xf32, #tpu.memory_space<vmem>>
    %dma_start3A_264 = tpu.memref_squeeze %dma_start3A_263 : memref<1x8x200x32xf32, #tpu.memory_space<vmem>> -> memref<8x200x32xf32, #tpu.memory_space<vmem>>
    tpu.enqueue_dma source(%dma_start3A_264 : memref<8x200x32xf32, #tpu.memory_space<vmem>>) target(%dma_start3A_259 : memref<8x200x32xf32, #tpu.memory_space<hbm>>) target_semaphore(%arg9 : memref<!tpu.dma_semaphore, #tpu.memory_space<semaphore_mem>>)
    %multiple_of3A_265 = arith.constant 8 : i32
    %multiple_of3A_266 = tpu.assume_multiple %multiple_of3A_265, 8 : i32
    %add3A_267 = arith.constant 0 : i32
    %add3A_268 = arith.addi %multiple_of3A_266, %add3A_267 : i32
    %dma_start3A_269 = arith.constant 1 : i32
    %dma_start3A_270 = arith.constant 0 : i32
    %dma_start3A_271 = arith.constant 0 : i32
    %dma_start3A_272 = arith.constant 0 : i32
    %dma_start3A_273 = tpu.memref_slice %arg6[%dma_start3A_269, %dma_start3A_270, %dma_start3A_271, %dma_start3A_272] : memref<2x8x200x32xf32, #tpu.memory_space<vmem>> -> memref<1x1x128x32xf32, #tpu.memory_space<vmem>>
    %dma_start3A_274 = tpu.memref_squeeze %dma_start3A_273 : memref<1x1x128x32xf32, #tpu.memory_space<vmem>> -> memref<128x32xf32, #tpu.memory_space<vmem>>
    %dma_start3A_275 = arith.constant 0 : i32
    %dma_start3A_276 = tpu.memref_slice %arg5[%add3A_268, %dma_start3A_275] : memref<128x200xi32, #tpu.memory_space<vmem>> -> memref<1x128xi32, #tpu.memory_space<vmem>>
    %dma_start3A_277 = tpu.memref_squeeze %dma_start3A_276 : memref<1x128xi32, #tpu.memory_space<vmem>> -> memref<128xi32, #tpu.memory_space<vmem>>
    %dma_start3A_278 = arith.constant 0 : i32
    %dma_start3A_279 = arith.constant 0 : i32
    %dma_start3A_280 = tpu.memref_slice %arg3[%dma_start3A_278, %dma_start3A_279] : memref<1000000x32xf32, #tpu.memory_space<hbm>> -> memref<1000000x32xf32, #tpu.memory_space<hbm>>
    tpu.enqueue_indirect_dma source(%dma_start3A_280 : memref<1000000x32xf32, #tpu.memory_space<hbm>>) target(%dma_start3A_274 : memref<128x32xf32, #tpu.memory_space<vmem>>) offsets(%dma_start3A_277 : memref<128xi32, #tpu.memory_space<vmem>>) semaphore(%arg8 : memref<!tpu.dma_semaphore, #tpu.memory_space<semaphore_mem>>)
    %add3A_281 = arith.constant 0 : i32
    %add3A_282 = arith.addi %multiple_of3A_266, %add3A_281 : i32
    %dma_start3A_283 = arith.constant 1 : i32
    %dma_start3A_284 = arith.constant 0 : i32
    %dma_start3A_285 = arith.constant 128 : i32
    %dma_start3A_286 = arith.constant 0 : i32
    %dma_start3A_287 = tpu.memref_slice %arg6[%dma_start3A_283, %dma_start3A_284, %dma_start3A_285, %dma_start3A_286] : memref<2x8x200x32xf32, #tpu.memory_space<vmem>> -> memref<1x1x72x32xf32, #tpu.memory_space<vmem>>
    %dma_start3A_288 = tpu.memref_squeeze %dma_start3A_287 : memref<1x1x72x32xf32, #tpu.memory_space<vmem>> -> memref<72x32xf32, #tpu.memory_space<vmem>>
    %dma_start3A_289 = arith.constant 128 : i32
    %dma_start3A_290 = tpu.memref_slice %arg5[%add3A_282, %dma_start3A_289] : memref<128x200xi32, #tpu.memory_space<vmem>> -> memref<1x72xi32, #tpu.memory_space<vmem>>
    %dma_start3A_291 = tpu.memref_squeeze %dma_start3A_290 : memref<1x72xi32, #tpu.memory_space<vmem>> -> memref<72xi32, #tpu.memory_space<vmem>>
    %dma_start3A_292 = arith.constant 0 : i32
    %dma_start3A_293 = arith.constant 0 : i32
    %dma_start3A_294 = tpu.memref_slice %arg3[%dma_start3A_292, %dma_start3A_293] : memref<1000000x32xf32, #tpu.memory_space<hbm>> -> memref<1000000x32xf32, #tpu.memory_space<hbm>>
    tpu.enqueue_indirect_dma source(%dma_start3A_294 : memref<1000000x32xf32, #tpu.memory_space<hbm>>) target(%dma_start3A_288 : memref<72x32xf32, #tpu.memory_space<vmem>>) offsets(%dma_start3A_291 : memref<72xi32, #tpu.memory_space<vmem>>) semaphore(%arg8 : memref<!tpu.dma_semaphore, #tpu.memory_space<semaphore_mem>>)
    %add3A_295 = arith.constant 1 : i32
    %add3A_296 = arith.addi %multiple_of3A_266, %add3A_295 : i32
    %dma_start3A_297 = arith.constant 1 : i32
    %dma_start3A_298 = arith.constant 1 : i32
    %dma_start3A_299 = arith.constant 0 : i32
    %dma_start3A_300 = arith.constant 0 : i32
    %dma_start3A_301 = tpu.memref_slice %arg6[%dma_start3A_297, %dma_start3A_298, %dma_start3A_299, %dma_start3A_300] : memref<2x8x200x32xf32, #tpu.memory_space<vmem>> -> memref<1x1x128x32xf32, #tpu.memory_space<vmem>>
    %dma_start3A_302 = tpu.memref_squeeze %dma_start3A_301 : memref<1x1x128x32xf32, #tpu.memory_space<vmem>> -> memref<128x32xf32, #tpu.memory_space<vmem>>
    %dma_start3A_303 = arith.constant 0 : i32
    %dma_start3A_304 = tpu.memref_slice %arg5[%add3A_296, %dma_start3A_303] : memref<128x200xi32, #tpu.memory_space<vmem>> -> memref<1x128xi32, #tpu.memory_space<vmem>>
    %dma_start3A_305 = tpu.memref_squeeze %dma_start3A_304 : memref<1x128xi32, #tpu.memory_space<vmem>> -> memref<128xi32, #tpu.memory_space<vmem>>
    %dma_start3A_306 = arith.constant 0 : i32
    %dma_start3A_307 = arith.constant 0 : i32
    %dma_start3A_308 = tpu.memref_slice %arg3[%dma_start3A_306, %dma_start3A_307] : memref<1000000x32xf32, #tpu.memory_space<hbm>> -> memref<1000000x32xf32, #tpu.memory_space<hbm>>
    tpu.enqueue_indirect_dma source(%dma_start3A_308 : memref<1000000x32xf32, #tpu.memory_space<hbm>>) target(%dma_start3A_302 : memref<128x32xf32, #tpu.memory_space<vmem>>) offsets(%dma_start3A_305 : memref<128xi32, #tpu.memory_space<vmem>>) semaphore(%arg8 : memref<!tpu.dma_semaphore, #tpu.memory_space<semaphore_mem>>)
    %add3A_309 = arith.constant 1 : i32
    %add3A_310 = arith.addi %multiple_of3A_266, %add3A_309 : i32
    %dma_start3A_311 = arith.constant 1 : i32
    %dma_start3A_312 = arith.constant 1 : i32
    %dma_start3A_313 = arith.constant 128 : i32
    %dma_start3A_314 = arith.constant 0 : i32
    %dma_start3A_315 = tpu.memref_slice %arg6[%dma_start3A_311, %dma_start3A_312, %dma_start3A_313, %dma_start3A_314] : memref<2x8x200x32xf32, #tpu.memory_space<vmem>> -> memref<1x1x72x32xf32, #tpu.memory_space<vmem>>
    %dma_start3A_316 = tpu.memref_squeeze %dma_start3A_315 : memref<1x1x72x32xf32, #tpu.memory_space<vmem>> -> memref<72x32xf32, #tpu.memory_space<vmem>>
    %dma_start3A_317 = arith.constant 128 : i32
    %dma_start3A_318 = tpu.memref_slice %arg5[%add3A_310, %dma_start3A_317] : memref<128x200xi32, #tpu.memory_space<vmem>> -> memref<1x72xi32, #tpu.memory_space<vmem>>
    %dma_start3A_319 = tpu.memref_squeeze %dma_start3A_318 : memref<1x72xi32, #tpu.memory_space<vmem>> -> memref<72xi32, #tpu.memory_space<vmem>>
    %dma_start3A_320 = arith.constant 0 : i32
    %dma_start3A_321 = arith.constant 0 : i32
    %dma_start3A_322 = tpu.memref_slice %arg3[%dma_start3A_320, %dma_start3A_321] : memref<1000000x32xf32, #tpu.memory_space<hbm>> -> memref<1000000x32xf32, #tpu.memory_space<hbm>>
    tpu.enqueue_indirect_dma source(%dma_start3A_322 : memref<1000000x32xf32, #tpu.memory_space<hbm>>) target(%dma_start3A_316 : memref<72x32xf32, #tpu.memory_space<vmem>>) offsets(%dma_start3A_319 : memref<72xi32, #tpu.memory_space<vmem>>) semaphore(%arg8 : memref<!tpu.dma_semaphore, #tpu.memory_space<semaphore_mem>>)
    %add3A_323 = arith.constant 2 : i32
    %add3A_324 = arith.addi %multiple_of3A_266, %add3A_323 : i32
    %dma_start3A_325 = arith.constant 1 : i32
    %dma_start3A_326 = arith.constant 2 : i32
    %dma_start3A_327 = arith.constant 0 : i32
    %dma_start3A_328 = arith.constant 0 : i32
    %dma_start3A_329 = tpu.memref_slice %arg6[%dma_start3A_325, %dma_start3A_326, %dma_start3A_327, %dma_start3A_328] : memref<2x8x200x32xf32, #tpu.memory_space<vmem>> -> memref<1x1x128x32xf32, #tpu.memory_space<vmem>>
    %dma_start3A_330 = tpu.memref_squeeze %dma_start3A_329 : memref<1x1x128x32xf32, #tpu.memory_space<vmem>> -> memref<128x32xf32, #tpu.memory_space<vmem>>
    %dma_start3A_331 = arith.constant 0 : i32
    %dma_start3A_332 = tpu.memref_slice %arg5[%add3A_324, %dma_start3A_331] : memref<128x200xi32, #tpu.memory_space<vmem>> -> memref<1x128xi32, #tpu.memory_space<vmem>>
    %dma_start3A_333 = tpu.memref_squeeze %dma_start3A_332 : memref<1x128xi32, #tpu.memory_space<vmem>> -> memref<128xi32, #tpu.memory_space<vmem>>
    %dma_start3A_334 = arith.constant 0 : i32
    %dma_start3A_335 = arith.constant 0 : i32
    %dma_start3A_336 = tpu.memref_slice %arg3[%dma_start3A_334, %dma_start3A_335] : memref<1000000x32xf32, #tpu.memory_space<hbm>> -> memref<1000000x32xf32, #tpu.memory_space<hbm>>
    tpu.enqueue_indirect_dma source(%dma_start3A_336 : memref<1000000x32xf32, #tpu.memory_space<hbm>>) target(%dma_start3A_330 : memref<128x32xf32, #tpu.memory_space<vmem>>) offsets(%dma_start3A_333 : memref<128xi32, #tpu.memory_space<vmem>>) semaphore(%arg8 : memref<!tpu.dma_semaphore, #tpu.memory_space<semaphore_mem>>)
    %add3A_337 = arith.constant 2 : i32
    %add3A_338 = arith.addi %multiple_of3A_266, %add3A_337 : i32
    %dma_start3A_339 = arith.constant 1 : i32
    %dma_start3A_340 = arith.constant 2 : i32
    %dma_start3A_341 = arith.constant 128 : i32
    %dma_start3A_342 = arith.constant 0 : i32
    %dma_start3A_343 = tpu.memref_slice %arg6[%dma_start3A_339, %dma_start3A_340, %dma_start3A_341, %dma_start3A_342] : memref<2x8x200x32xf32, #tpu.memory_space<vmem>> -> memref<1x1x72x32xf32, #tpu.memory_space<vmem>>
    %dma_start3A_344 = tpu.memref_squeeze %dma_start3A_343 : memref<1x1x72x32xf32, #tpu.memory_space<vmem>> -> memref<72x32xf32, #tpu.memory_space<vmem>>
    %dma_start3A_345 = arith.constant 128 : i32
    %dma_start3A_346 = tpu.memref_slice %arg5[%add3A_338, %dma_start3A_345] : memref<128x200xi32, #tpu.memory_space<vmem>> -> memref<1x72xi32, #tpu.memory_space<vmem>>
    %dma_start3A_347 = tpu.memref_squeeze %dma_start3A_346 : memref<1x72xi32, #tpu.memory_space<vmem>> -> memref<72xi32, #tpu.memory_space<vmem>>
    %dma_start3A_348 = arith.constant 0 : i32
    %dma_start3A_349 = arith.constant 0 : i32
    %dma_start3A_350 = tpu.memref_slice %arg3[%dma_start3A_348, %dma_start3A_349] : memref<1000000x32xf32, #tpu.memory_space<hbm>> -> memref<1000000x32xf32, #tpu.memory_space<hbm>>
    tpu.enqueue_indirect_dma source(%dma_start3A_350 : memref<1000000x32xf32, #tpu.memory_space<hbm>>) target(%dma_start3A_344 : memref<72x32xf32, #tpu.memory_space<vmem>>) offsets(%dma_start3A_347 : memref<72xi32, #tpu.memory_space<vmem>>) semaphore(%arg8 : memref<!tpu.dma_semaphore, #tpu.memory_space<semaphore_mem>>)
    %add3A_351 = arith.constant 3 : i32
    %add3A_352 = arith.addi %multiple_of3A_266, %add3A_351 : i32
    %dma_start3A_353 = arith.constant 1 : i32
    %dma_start3A_354 = arith.constant 3 : i32
    %dma_start3A_355 = arith.constant 0 : i32
    %dma_start3A_356 = arith.constant 0 : i32
    %dma_start3A_357 = tpu.memref_slice %arg6[%dma_start3A_353, %dma_start3A_354, %dma_start3A_355, %dma_start3A_356] : memref<2x8x200x32xf32, #tpu.memory_space<vmem>> -> memref<1x1x128x32xf32, #tpu.memory_space<vmem>>
    %dma_start3A_358 = tpu.memref_squeeze %dma_start3A_357 : memref<1x1x128x32xf32, #tpu.memory_space<vmem>> -> memref<128x32xf32, #tpu.memory_space<vmem>>
    %dma_start3A_359 = arith.constant 0 : i32
    %dma_start3A_360 = tpu.memref_slice %arg5[%add3A_352, %dma_start3A_359] : memref<128x200xi32, #tpu.memory_space<vmem>> -> memref<1x128xi32, #tpu.memory_space<vmem>>
    %dma_start3A_361 = tpu.memref_squeeze %dma_start3A_360 : memref<1x128xi32, #tpu.memory_space<vmem>> -> memref<128xi32, #tpu.memory_space<vmem>>
    %dma_start3A_362 = arith.constant 0 : i32
    %dma_start3A_363 = arith.constant 0 : i32
    %dma_start3A_364 = tpu.memref_slice %arg3[%dma_start3A_362, %dma_start3A_363] : memref<1000000x32xf32, #tpu.memory_space<hbm>> -> memref<1000000x32xf32, #tpu.memory_space<hbm>>
    tpu.enqueue_indirect_dma source(%dma_start3A_364 : memref<1000000x32xf32, #tpu.memory_space<hbm>>) target(%dma_start3A_358 : memref<128x32xf32, #tpu.memory_space<vmem>>) offsets(%dma_start3A_361 : memref<128xi32, #tpu.memory_space<vmem>>) semaphore(%arg8 : memref<!tpu.dma_semaphore, #tpu.memory_space<semaphore_mem>>)
    %add3A_365 = arith.constant 3 : i32
    %add3A_366 = arith.addi %multiple_of3A_266, %add3A_365 : i32
    %dma_start3A_367 = arith.constant 1 : i32
    %dma_start3A_368 = arith.constant 3 : i32
    %dma_start3A_369 = arith.constant 128 : i32
    %dma_start3A_370 = arith.constant 0 : i32
    %dma_start3A_371 = tpu.memref_slice %arg6[%dma_start3A_367, %dma_start3A_368, %dma_start3A_369, %dma_start3A_370] : memref<2x8x200x32xf32, #tpu.memory_space<vmem>> -> memref<1x1x72x32xf32, #tpu.memory_space<vmem>>
    %dma_start3A_372 = tpu.memref_squeeze %dma_start3A_371 : memref<1x1x72x32xf32, #tpu.memory_space<vmem>> -> memref<72x32xf32, #tpu.memory_space<vmem>>
    %dma_start3A_373 = arith.constant 128 : i32
    %dma_start3A_374 = tpu.memref_slice %arg5[%add3A_366, %dma_start3A_373] : memref<128x200xi32, #tpu.memory_space<vmem>> -> memref<1x72xi32, #tpu.memory_space<vmem>>
    %dma_start3A_375 = tpu.memref_squeeze %dma_start3A_374 : memref<1x72xi32, #tpu.memory_space<vmem>> -> memref<72xi32, #tpu.memory_space<vmem>>
    %dma_start3A_376 = arith.constant 0 : i32
    %dma_start3A_377 = arith.constant 0 : i32
    %dma_start3A_378 = tpu.memref_slice %arg3[%dma_start3A_376, %dma_start3A_377] : memref<1000000x32xf32, #tpu.memory_space<hbm>> -> memref<1000000x32xf32, #tpu.memory_space<hbm>>
    tpu.enqueue_indirect_dma source(%dma_start3A_378 : memref<1000000x32xf32, #tpu.memory_space<hbm>>) target(%dma_start3A_372 : memref<72x32xf32, #tpu.memory_space<vmem>>) offsets(%dma_start3A_375 : memref<72xi32, #tpu.memory_space<vmem>>) semaphore(%arg8 : memref<!tpu.dma_semaphore, #tpu.memory_space<semaphore_mem>>)
    %add3A_379 = arith.constant 4 : i32
    %add3A_380 = arith.addi %multiple_of3A_266, %add3A_379 : i32
    %dma_start3A_381 = arith.constant 1 : i32
    %dma_start3A_382 = arith.constant 4 : i32
    %dma_start3A_383 = arith.constant 0 : i32
    %dma_start3A_384 = arith.constant 0 : i32
    %dma_start3A_385 = tpu.memref_slice %arg6[%dma_start3A_381, %dma_start3A_382, %dma_start3A_383, %dma_start3A_384] : memref<2x8x200x32xf32, #tpu.memory_space<vmem>> -> memref<1x1x128x32xf32, #tpu.memory_space<vmem>>
    %dma_start3A_386 = tpu.memref_squeeze %dma_start3A_385 : memref<1x1x128x32xf32, #tpu.memory_space<vmem>> -> memref<128x32xf32, #tpu.memory_space<vmem>>
    %dma_start3A_387 = arith.constant 0 : i32
    %dma_start3A_388 = tpu.memref_slice %arg5[%add3A_380, %dma_start3A_387] : memref<128x200xi32, #tpu.memory_space<vmem>> -> memref<1x128xi32, #tpu.memory_space<vmem>>
    %dma_start3A_389 = tpu.memref_squeeze %dma_start3A_388 : memref<1x128xi32, #tpu.memory_space<vmem>> -> memref<128xi32, #tpu.memory_space<vmem>>
    %dma_start3A_390 = arith.constant 0 : i32
    %dma_start3A_391 = arith.constant 0 : i32
    %dma_start3A_392 = tpu.memref_slice %arg3[%dma_start3A_390, %dma_start3A_391] : memref<1000000x32xf32, #tpu.memory_space<hbm>> -> memref<1000000x32xf32, #tpu.memory_space<hbm>>
    tpu.enqueue_indirect_dma source(%dma_start3A_392 : memref<1000000x32xf32, #tpu.memory_space<hbm>>) target(%dma_start3A_386 : memref<128x32xf32, #tpu.memory_space<vmem>>) offsets(%dma_start3A_389 : memref<128xi32, #tpu.memory_space<vmem>>) semaphore(%arg8 : memref<!tpu.dma_semaphore, #tpu.memory_space<semaphore_mem>>)
    %add3A_393 = arith.constant 4 : i32
    %add3A_394 = arith.addi %multiple_of3A_266, %add3A_393 : i32
    %dma_start3A_395 = arith.constant 1 : i32
    %dma_start3A_396 = arith.constant 4 : i32
    %dma_start3A_397 = arith.constant 128 : i32
    %dma_start3A_398 = arith.constant 0 : i32
    %dma_start3A_399 = tpu.memref_slice %arg6[%dma_start3A_395, %dma_start3A_396, %dma_start3A_397, %dma_start3A_398] : memref<2x8x200x32xf32, #tpu.memory_space<vmem>> -> memref<1x1x72x32xf32, #tpu.memory_space<vmem>>
    %dma_start3A_400 = tpu.memref_squeeze %dma_start3A_399 : memref<1x1x72x32xf32, #tpu.memory_space<vmem>> -> memref<72x32xf32, #tpu.memory_space<vmem>>
    %dma_start3A_401 = arith.constant 128 : i32
    %dma_start3A_402 = tpu.memref_slice %arg5[%add3A_394, %dma_start3A_401] : memref<128x200xi32, #tpu.memory_space<vmem>> -> memref<1x72xi32, #tpu.memory_space<vmem>>
    %dma_start3A_403 = tpu.memref_squeeze %dma_start3A_402 : memref<1x72xi32, #tpu.memory_space<vmem>> -> memref<72xi32, #tpu.memory_space<vmem>>
    %dma_start3A_404 = arith.constant 0 : i32
    %dma_start3A_405 = arith.constant 0 : i32
    %dma_start3A_406 = tpu.memref_slice %arg3[%dma_start3A_404, %dma_start3A_405] : memref<1000000x32xf32, #tpu.memory_space<hbm>> -> memref<1000000x32xf32, #tpu.memory_space<hbm>>
    tpu.enqueue_indirect_dma source(%dma_start3A_406 : memref<1000000x32xf32, #tpu.memory_space<hbm>>) target(%dma_start3A_400 : memref<72x32xf32, #tpu.memory_space<vmem>>) offsets(%dma_start3A_403 : memref<72xi32, #tpu.memory_space<vmem>>) semaphore(%arg8 : memref<!tpu.dma_semaphore, #tpu.memory_space<semaphore_mem>>)
    %add3A_407 = arith.constant 5 : i32
    %add3A_408 = arith.addi %multiple_of3A_266, %add3A_407 : i32
    %dma_start3A_409 = arith.constant 1 : i32
    %dma_start3A_410 = arith.constant 5 : i32
    %dma_start3A_411 = arith.constant 0 : i32
    %dma_start3A_412 = arith.constant 0 : i32
    %dma_start3A_413 = tpu.memref_slice %arg6[%dma_start3A_409, %dma_start3A_410, %dma_start3A_411, %dma_start3A_412] : memref<2x8x200x32xf32, #tpu.memory_space<vmem>> -> memref<1x1x128x32xf32, #tpu.memory_space<vmem>>
    %dma_start3A_414 = tpu.memref_squeeze %dma_start3A_413 : memref<1x1x128x32xf32, #tpu.memory_space<vmem>> -> memref<128x32xf32, #tpu.memory_space<vmem>>
    %dma_start3A_415 = arith.constant 0 : i32
    %dma_start3A_416 = tpu.memref_slice %arg5[%add3A_408, %dma_start3A_415] : memref<128x200xi32, #tpu.memory_space<vmem>> -> memref<1x128xi32, #tpu.memory_space<vmem>>
    %dma_start3A_417 = tpu.memref_squeeze %dma_start3A_416 : memref<1x128xi32, #tpu.memory_space<vmem>> -> memref<128xi32, #tpu.memory_space<vmem>>
    %dma_start3A_418 = arith.constant 0 : i32
    %dma_start3A_419 = arith.constant 0 : i32
    %dma_start3A_420 = tpu.memref_slice %arg3[%dma_start3A_418, %dma_start3A_419] : memref<1000000x32xf32, #tpu.memory_space<hbm>> -> memref<1000000x32xf32, #tpu.memory_space<hbm>>
    tpu.enqueue_indirect_dma source(%dma_start3A_420 : memref<1000000x32xf32, #tpu.memory_space<hbm>>) target(%dma_start3A_414 : memref<128x32xf32, #tpu.memory_space<vmem>>) offsets(%dma_start3A_417 : memref<128xi32, #tpu.memory_space<vmem>>) semaphore(%arg8 : memref<!tpu.dma_semaphore, #tpu.memory_space<semaphore_mem>>)
    %add3A_421 = arith.constant 5 : i32
    %add3A_422 = arith.addi %multiple_of3A_266, %add3A_421 : i32
    %dma_start3A_423 = arith.constant 1 : i32
    %dma_start3A_424 = arith.constant 5 : i32
    %dma_start3A_425 = arith.constant 128 : i32
    %dma_start3A_426 = arith.constant 0 : i32
    %dma_start3A_427 = tpu.memref_slice %arg6[%dma_start3A_423, %dma_start3A_424, %dma_start3A_425, %dma_start3A_426] : memref<2x8x200x32xf32, #tpu.memory_space<vmem>> -> memref<1x1x72x32xf32, #tpu.memory_space<vmem>>
    %dma_start3A_428 = tpu.memref_squeeze %dma_start3A_427 : memref<1x1x72x32xf32, #tpu.memory_space<vmem>> -> memref<72x32xf32, #tpu.memory_space<vmem>>
    %dma_start3A_429 = arith.constant 128 : i32
    %dma_start3A_430 = tpu.memref_slice %arg5[%add3A_422, %dma_start3A_429] : memref<128x200xi32, #tpu.memory_space<vmem>> -> memref<1x72xi32, #tpu.memory_space<vmem>>
    %dma_start3A_431 = tpu.memref_squeeze %dma_start3A_430 : memref<1x72xi32, #tpu.memory_space<vmem>> -> memref<72xi32, #tpu.memory_space<vmem>>
    %dma_start3A_432 = arith.constant 0 : i32
    %dma_start3A_433 = arith.constant 0 : i32
    %dma_start3A_434 = tpu.memref_slice %arg3[%dma_start3A_432, %dma_start3A_433] : memref<1000000x32xf32, #tpu.memory_space<hbm>> -> memref<1000000x32xf32, #tpu.memory_space<hbm>>
    tpu.enqueue_indirect_dma source(%dma_start3A_434 : memref<1000000x32xf32, #tpu.memory_space<hbm>>) target(%dma_start3A_428 : memref<72x32xf32, #tpu.memory_space<vmem>>) offsets(%dma_start3A_431 : memref<72xi32, #tpu.memory_space<vmem>>) semaphore(%arg8 : memref<!tpu.dma_semaphore, #tpu.memory_space<semaphore_mem>>)
    %add3A_435 = arith.constant 6 : i32
    %add3A_436 = arith.addi %multiple_of3A_266, %add3A_435 : i32
    %dma_start3A_437 = arith.constant 1 : i32
    %dma_start3A_438 = arith.constant 6 : i32
    %dma_start3A_439 = arith.constant 0 : i32
    %dma_start3A_440 = arith.constant 0 : i32
    %dma_start3A_441 = tpu.memref_slice %arg6[%dma_start3A_437, %dma_start3A_438, %dma_start3A_439, %dma_start3A_440] : memref<2x8x200x32xf32, #tpu.memory_space<vmem>> -> memref<1x1x128x32xf32, #tpu.memory_space<vmem>>
    %dma_start3A_442 = tpu.memref_squeeze %dma_start3A_441 : memref<1x1x128x32xf32, #tpu.memory_space<vmem>> -> memref<128x32xf32, #tpu.memory_space<vmem>>
    %dma_start3A_443 = arith.constant 0 : i32
    %dma_start3A_444 = tpu.memref_slice %arg5[%add3A_436, %dma_start3A_443] : memref<128x200xi32, #tpu.memory_space<vmem>> -> memref<1x128xi32, #tpu.memory_space<vmem>>
    %dma_start3A_445 = tpu.memref_squeeze %dma_start3A_444 : memref<1x128xi32, #tpu.memory_space<vmem>> -> memref<128xi32, #tpu.memory_space<vmem>>
    %dma_start3A_446 = arith.constant 0 : i32
    %dma_start3A_447 = arith.constant 0 : i32
    %dma_start3A_448 = tpu.memref_slice %arg3[%dma_start3A_446, %dma_start3A_447] : memref<1000000x32xf32, #tpu.memory_space<hbm>> -> memref<1000000x32xf32, #tpu.memory_space<hbm>>
    tpu.enqueue_indirect_dma source(%dma_start3A_448 : memref<1000000x32xf32, #tpu.memory_space<hbm>>) target(%dma_start3A_442 : memref<128x32xf32, #tpu.memory_space<vmem>>) offsets(%dma_start3A_445 : memref<128xi32, #tpu.memory_space<vmem>>) semaphore(%arg8 : memref<!tpu.dma_semaphore, #tpu.memory_space<semaphore_mem>>)
    %add3A_449 = arith.constant 6 : i32
    %add3A_450 = arith.addi %multiple_of3A_266, %add3A_449 : i32
    %dma_start3A_451 = arith.constant 1 : i32
    %dma_start3A_452 = arith.constant 6 : i32
    %dma_start3A_453 = arith.constant 128 : i32
    %dma_start3A_454 = arith.constant 0 : i32
    %dma_start3A_455 = tpu.memref_slice %arg6[%dma_start3A_451, %dma_start3A_452, %dma_start3A_453, %dma_start3A_454] : memref<2x8x200x32xf32, #tpu.memory_space<vmem>> -> memref<1x1x72x32xf32, #tpu.memory_space<vmem>>
    %dma_start3A_456 = tpu.memref_squeeze %dma_start3A_455 : memref<1x1x72x32xf32, #tpu.memory_space<vmem>> -> memref<72x32xf32, #tpu.memory_space<vmem>>
    %dma_start3A_457 = arith.constant 128 : i32
    %dma_start3A_458 = tpu.memref_slice %arg5[%add3A_450, %dma_start3A_457] : memref<128x200xi32, #tpu.memory_space<vmem>> -> memref<1x72xi32, #tpu.memory_space<vmem>>
    %dma_start3A_459 = tpu.memref_squeeze %dma_start3A_458 : memref<1x72xi32, #tpu.memory_space<vmem>> -> memref<72xi32, #tpu.memory_space<vmem>>
    %dma_start3A_460 = arith.constant 0 : i32
    %dma_start3A_461 = arith.constant 0 : i32
    %dma_start3A_462 = tpu.memref_slice %arg3[%dma_start3A_460, %dma_start3A_461] : memref<1000000x32xf32, #tpu.memory_space<hbm>> -> memref<1000000x32xf32, #tpu.memory_space<hbm>>
    tpu.enqueue_indirect_dma source(%dma_start3A_462 : memref<1000000x32xf32, #tpu.memory_space<hbm>>) target(%dma_start3A_456 : memref<72x32xf32, #tpu.memory_space<vmem>>) offsets(%dma_start3A_459 : memref<72xi32, #tpu.memory_space<vmem>>) semaphore(%arg8 : memref<!tpu.dma_semaphore, #tpu.memory_space<semaphore_mem>>)
    %add3A_463 = arith.constant 7 : i32
    %add3A_464 = arith.addi %multiple_of3A_266, %add3A_463 : i32
    %dma_start3A_465 = arith.constant 1 : i32
    %dma_start3A_466 = arith.constant 7 : i32
    %dma_start3A_467 = arith.constant 0 : i32
    %dma_start3A_468 = arith.constant 0 : i32
    %dma_start3A_469 = tpu.memref_slice %arg6[%dma_start3A_465, %dma_start3A_466, %dma_start3A_467, %dma_start3A_468] : memref<2x8x200x32xf32, #tpu.memory_space<vmem>> -> memref<1x1x128x32xf32, #tpu.memory_space<vmem>>
    %dma_start3A_470 = tpu.memref_squeeze %dma_start3A_469 : memref<1x1x128x32xf32, #tpu.memory_space<vmem>> -> memref<128x32xf32, #tpu.memory_space<vmem>>
    %dma_start3A_471 = arith.constant 0 : i32
    %dma_start3A_472 = tpu.memref_slice %arg5[%add3A_464, %dma_start3A_471] : memref<128x200xi32, #tpu.memory_space<vmem>> -> memref<1x128xi32, #tpu.memory_space<vmem>>
    %dma_start3A_473 = tpu.memref_squeeze %dma_start3A_472 : memref<1x128xi32, #tpu.memory_space<vmem>> -> memref<128xi32, #tpu.memory_space<vmem>>
    %dma_start3A_474 = arith.constant 0 : i32
    %dma_start3A_475 = arith.constant 0 : i32
    %dma_start3A_476 = tpu.memref_slice %arg3[%dma_start3A_474, %dma_start3A_475] : memref<1000000x32xf32, #tpu.memory_space<hbm>> -> memref<1000000x32xf32, #tpu.memory_space<hbm>>
    tpu.enqueue_indirect_dma source(%dma_start3A_476 : memref<1000000x32xf32, #tpu.memory_space<hbm>>) target(%dma_start3A_470 : memref<128x32xf32, #tpu.memory_space<vmem>>) offsets(%dma_start3A_473 : memref<128xi32, #tpu.memory_space<vmem>>) semaphore(%arg8 : memref<!tpu.dma_semaphore, #tpu.memory_space<semaphore_mem>>)
    %add3A_477 = arith.constant 7 : i32
    %add3A_478 = arith.addi %multiple_of3A_266, %add3A_477 : i32
    %dma_start3A_479 = arith.constant 1 : i32
    %dma_start3A_480 = arith.constant 7 : i32
    %dma_start3A_481 = arith.constant 128 : i32
    %dma_start3A_482 = arith.constant 0 : i32
    %dma_start3A_483 = tpu.memref_slice %arg6[%dma_start3A_479, %dma_start3A_480, %dma_start3A_481, %dma_start3A_482] : memref<2x8x200x32xf32, #tpu.memory_space<vmem>> -> memref<1x1x72x32xf32, #tpu.memory_space<vmem>>
    %dma_start3A_484 = tpu.memref_squeeze %dma_start3A_483 : memref<1x1x72x32xf32, #tpu.memory_space<vmem>> -> memref<72x32xf32, #tpu.memory_space<vmem>>
    %dma_start3A_485 = arith.constant 128 : i32
    %dma_start3A_486 = tpu.memref_slice %arg5[%add3A_478, %dma_start3A_485] : memref<128x200xi32, #tpu.memory_space<vmem>> -> memref<1x72xi32, #tpu.memory_space<vmem>>
    %dma_start3A_487 = tpu.memref_squeeze %dma_start3A_486 : memref<1x72xi32, #tpu.memory_space<vmem>> -> memref<72xi32, #tpu.memory_space<vmem>>
    %dma_start3A_488 = arith.constant 0 : i32
    %dma_start3A_489 = arith.constant 0 : i32
    %dma_start3A_490 = tpu.memref_slice %arg3[%dma_start3A_488, %dma_start3A_489] : memref<1000000x32xf32, #tpu.memory_space<hbm>> -> memref<1000000x32xf32, #tpu.memory_space<hbm>>
    tpu.enqueue_indirect_dma source(%dma_start3A_490 : memref<1000000x32xf32, #tpu.memory_space<hbm>>) target(%dma_start3A_484 : memref<72x32xf32, #tpu.memory_space<vmem>>) offsets(%dma_start3A_487 : memref<72xi32, #tpu.memory_space<vmem>>) semaphore(%arg8 : memref<!tpu.dma_semaphore, #tpu.memory_space<semaphore_mem>>)
    %scan3A = arith.constant 0 : i32
    %scan3A_491 = arith.constant 7 : i32
    %scan3A_492 = arith.addi %scan3A, %scan3A_491 : i32
    %scan3A_493 = arith.constant 1 : i32
    scf.for %scan3A_572 = %scan3A to %scan3A_492 step %scan3A_493  : i32 {
      %mul3A_573 = arith.constant 1 : i32
      %mul3A_574 = arith.muli %scan3A_572, %mul3A_573 : i32
      %add3A_575 = arith.constant 1 : i32
      %add3A_576 = arith.addi %add3A_575, %mul3A_574 : i32
      %mul3A_577 = arith.constant 2 : i32
      %mul3A_578 = arith.muli %mul3A_577, %add3A_576 : i32
      %multiple_of3A_579 = tpu.assume_multiple %mul3A_578, 2 : i32
      %dma_wait3A_580 = arith.constant 1 : i32
      %dma_wait3A_581 = arith.constant 0 : i32
      %dma_wait3A_582 = arith.constant 0 : i32
      %dma_wait3A_583 = arith.constant 0 : i32
      %dma_wait3A_584 = tpu.memref_slice %arg6[%dma_wait3A_580, %dma_wait3A_581, %dma_wait3A_582, %dma_wait3A_583] : memref<2x8x200x32xf32, #tpu.memory_space<vmem>> -> memref<1x8x200x32xf32, #tpu.memory_space<vmem>>
      %dma_wait3A_585 = tpu.memref_squeeze %dma_wait3A_584 : memref<1x8x200x32xf32, #tpu.memory_space<vmem>> -> memref<8x200x32xf32, #tpu.memory_space<vmem>>
      %dma_wait3A_586 = arith.constant 0 : i32
      %dma_wait3A_587 = arith.constant 0 : i32
      %dma_wait3A_588 = arith.constant 0 : i32
      %dma_wait3A_589 = tpu.memref_slice %arg4[%dma_wait3A_586, %dma_wait3A_587, %dma_wait3A_588] : memref<4096x200x32xf32, #tpu.memory_space<hbm>> -> memref<8x200x32xf32, #tpu.memory_space<hbm>>
      %dma_wait3A_590 = arith.constant 0 : i32
      %dma_wait3A_591 = arith.constant 0 : i32
      %dma_wait3A_592 = arith.constant 0 : i32
      %dma_wait3A_593 = tpu.memref_slice %arg6[%dma_wait3A_580, %dma_wait3A_590, %dma_wait3A_591, %dma_wait3A_592] : memref<2x8x200x32xf32, #tpu.memory_space<vmem>> -> memref<1x8x200x32xf32, #tpu.memory_space<vmem>>
      %dma_wait3A_594 = tpu.memref_squeeze %dma_wait3A_593 : memref<1x8x200x32xf32, #tpu.memory_space<vmem>> -> memref<8x200x32xf32, #tpu.memory_space<vmem>>
      %dma_wait3A_595 = arith.constant 0 : i32
      %dma_wait3A_596 = arith.constant 0 : i32
      %dma_wait3A_597 = arith.constant 0 : i32
      %dma_wait3A_598 = tpu.memref_slice %arg4[%dma_wait3A_595, %dma_wait3A_596, %dma_wait3A_597] : memref<4096x200x32xf32, #tpu.memory_space<hbm>> -> memref<8x200x32xf32, #tpu.memory_space<hbm>>
      tpu.wait_dma2 semaphore(%arg8 : memref<!tpu.dma_semaphore, #tpu.memory_space<semaphore_mem>>) src(%dma_wait3A_598 : memref<8x200x32xf32, #tpu.memory_space<hbm>>) dst(%dma_wait3A_594 : memref<8x200x32xf32, #tpu.memory_space<vmem>>)
      %sub3A = arith.constant 1 : i32
      %sub3A_599 = arith.subi %multiple_of3A_579, %sub3A : i32
      %mul3A_600 = arith.constant 8 : i32
      %mul3A_601 = arith.muli %sub3A_599, %mul3A_600 : i32
      %add3A_602 = arith.addi %mul3A_2, %mul3A_601 : i32
      %multiple_of3A_603 = tpu.assume_multiple %add3A_602, 8 : i32
      %dma_start3A_604 = arith.constant 1 : i32
      %dma_start3A_605 = arith.constant 0 : i32
      %dma_start3A_606 = arith.constant 0 : i32
      %dma_start3A_607 = arith.constant 0 : i32
      %dma_start3A_608 = tpu.memref_slice %arg6[%dma_start3A_604, %dma_start3A_605, %dma_start3A_606, %dma_start3A_607] : memref<2x8x200x32xf32, #tpu.memory_space<vmem>> -> memref<1x8x200x32xf32, #tpu.memory_space<vmem>>
      %dma_start3A_609 = tpu.memref_squeeze %dma_start3A_608 : memref<1x8x200x32xf32, #tpu.memory_space<vmem>> -> memref<8x200x32xf32, #tpu.memory_space<vmem>>
      %dma_start3A_610 = arith.constant 0 : i32
      %dma_start3A_611 = arith.constant 0 : i32
      %dma_start3A_612 = tpu.memref_slice %arg4[%multiple_of3A_603, %dma_start3A_610, %dma_start3A_611] : memref<4096x200x32xf32, #tpu.memory_space<hbm>> -> memref<8x200x32xf32, #tpu.memory_space<hbm>>
      %dma_start3A_613 = arith.constant 0 : i32
      %dma_start3A_614 = arith.constant 0 : i32
      %dma_start3A_615 = tpu.memref_slice %arg4[%multiple_of3A_603, %dma_start3A_613, %dma_start3A_614] : memref<4096x200x32xf32, #tpu.memory_space<hbm>> -> memref<8x200x32xf32, #tpu.memory_space<hbm>>
      %dma_start3A_616 = arith.constant 0 : i32
      %dma_start3A_617 = arith.constant 0 : i32
      %dma_start3A_618 = arith.constant 0 : i32
      %dma_start3A_619 = tpu.memref_slice %arg6[%dma_start3A_604, %dma_start3A_616, %dma_start3A_617, %dma_start3A_618] : memref<2x8x200x32xf32, #tpu.memory_space<vmem>> -> memref<1x8x200x32xf32, #tpu.memory_space<vmem>>
      %dma_start3A_620 = tpu.memref_squeeze %dma_start3A_619 : memref<1x8x200x32xf32, #tpu.memory_space<vmem>> -> memref<8x200x32xf32, #tpu.memory_space<vmem>>
      tpu.enqueue_dma source(%dma_start3A_620 : memref<8x200x32xf32, #tpu.memory_space<vmem>>) target(%dma_start3A_615 : memref<8x200x32xf32, #tpu.memory_space<hbm>>) target_semaphore(%arg10 : memref<!tpu.dma_semaphore, #tpu.memory_space<semaphore_mem>>)
      %dma_wait3A_621 = arith.constant 0 : i32
      %dma_wait3A_622 = arith.constant 0 : i32
      %dma_wait3A_623 = arith.constant 0 : i32
      %dma_wait3A_624 = arith.constant 0 : i32
      %dma_wait3A_625 = tpu.memref_slice %arg6[%dma_wait3A_621, %dma_wait3A_622, %dma_wait3A_623, %dma_wait3A_624] : memref<2x8x200x32xf32, #tpu.memory_space<vmem>> -> memref<1x8x200x32xf32, #tpu.memory_space<vmem>>
      %dma_wait3A_626 = tpu.memref_squeeze %dma_wait3A_625 : memref<1x8x200x32xf32, #tpu.memory_space<vmem>> -> memref<8x200x32xf32, #tpu.memory_space<vmem>>
      %dma_wait3A_627 = arith.constant 0 : i32
      %dma_wait3A_628 = arith.constant 0 : i32
      %dma_wait3A_629 = arith.constant 0 : i32
      %dma_wait3A_630 = tpu.memref_slice %arg4[%dma_wait3A_627, %dma_wait3A_628, %dma_wait3A_629] : memref<4096x200x32xf32, #tpu.memory_space<hbm>> -> memref<8x200x32xf32, #tpu.memory_space<hbm>>
      %dma_wait3A_631 = arith.constant 0 : i32
      %dma_wait3A_632 = arith.constant 0 : i32
      %dma_wait3A_633 = arith.constant 0 : i32
      %dma_wait3A_634 = tpu.memref_slice %arg4[%dma_wait3A_631, %dma_wait3A_632, %dma_wait3A_633] : memref<4096x200x32xf32, #tpu.memory_space<hbm>> -> memref<8x200x32xf32, #tpu.memory_space<hbm>>
      %dma_wait3A_635 = arith.constant 0 : i32
      %dma_wait3A_636 = arith.constant 0 : i32
      %dma_wait3A_637 = arith.constant 0 : i32
      %dma_wait3A_638 = tpu.memref_slice %arg6[%dma_wait3A_621, %dma_wait3A_635, %dma_wait3A_636, %dma_wait3A_637] : memref<2x8x200x32xf32, #tpu.memory_space<vmem>> -> memref<1x8x200x32xf32, #tpu.memory_space<vmem>>
      %dma_wait3A_639 = tpu.memref_squeeze %dma_wait3A_638 : memref<1x8x200x32xf32, #tpu.memory_space<vmem>> -> memref<8x200x32xf32, #tpu.memory_space<vmem>>
      tpu.wait_dma2 semaphore(%arg9 : memref<!tpu.dma_semaphore, #tpu.memory_space<semaphore_mem>>) src(%dma_wait3A_639 : memref<8x200x32xf32, #tpu.memory_space<vmem>>) dst(%dma_wait3A_634 : memref<8x200x32xf32, #tpu.memory_space<hbm>>)
      %mul3A_640 = arith.constant 8 : i32
      %mul3A_641 = arith.muli %multiple_of3A_579, %mul3A_640 : i32
      %multiple_of3A_642 = tpu.assume_multiple %mul3A_641, 8 : i32
      %add3A_643 = arith.constant 0 : i32
      %add3A_644 = arith.addi %multiple_of3A_642, %add3A_643 : i32
      %dma_start3A_645 = arith.constant 0 : i32
      %dma_start3A_646 = arith.constant 0 : i32
      %dma_start3A_647 = arith.constant 0 : i32
      %dma_start3A_648 = arith.constant 0 : i32
      %dma_start3A_649 = tpu.memref_slice %arg6[%dma_start3A_645, %dma_start3A_646, %dma_start3A_647, %dma_start3A_648] : memref<2x8x200x32xf32, #tpu.memory_space<vmem>> -> memref<1x1x128x32xf32, #tpu.memory_space<vmem>>
      %dma_start3A_650 = tpu.memref_squeeze %dma_start3A_649 : memref<1x1x128x32xf32, #tpu.memory_space<vmem>> -> memref<128x32xf32, #tpu.memory_space<vmem>>
      %dma_start3A_651 = arith.constant 0 : i32
      %dma_start3A_652 = tpu.memref_slice %arg5[%add3A_644, %dma_start3A_651] : memref<128x200xi32, #tpu.memory_space<vmem>> -> memref<1x128xi32, #tpu.memory_space<vmem>>
      %dma_start3A_653 = tpu.memref_squeeze %dma_start3A_652 : memref<1x128xi32, #tpu.memory_space<vmem>> -> memref<128xi32, #tpu.memory_space<vmem>>
      %dma_start3A_654 = arith.constant 0 : i32
      %dma_start3A_655 = arith.constant 0 : i32
      %dma_start3A_656 = tpu.memref_slice %arg3[%dma_start3A_654, %dma_start3A_655] : memref<1000000x32xf32, #tpu.memory_space<hbm>> -> memref<1000000x32xf32, #tpu.memory_space<hbm>>
      tpu.enqueue_indirect_dma source(%dma_start3A_656 : memref<1000000x32xf32, #tpu.memory_space<hbm>>) target(%dma_start3A_650 : memref<128x32xf32, #tpu.memory_space<vmem>>) offsets(%dma_start3A_653 : memref<128xi32, #tpu.memory_space<vmem>>) semaphore(%arg7 : memref<!tpu.dma_semaphore, #tpu.memory_space<semaphore_mem>>)
      %add3A_657 = arith.constant 0 : i32
      %add3A_658 = arith.addi %multiple_of3A_642, %add3A_657 : i32
      %dma_start3A_659 = arith.constant 0 : i32
      %dma_start3A_660 = arith.constant 0 : i32
      %dma_start3A_661 = arith.constant 128 : i32
      %dma_start3A_662 = arith.constant 0 : i32
      %dma_start3A_663 = tpu.memref_slice %arg6[%dma_start3A_659, %dma_start3A_660, %dma_start3A_661, %dma_start3A_662] : memref<2x8x200x32xf32, #tpu.memory_space<vmem>> -> memref<1x1x72x32xf32, #tpu.memory_space<vmem>>
      %dma_start3A_664 = tpu.memref_squeeze %dma_start3A_663 : memref<1x1x72x32xf32, #tpu.memory_space<vmem>> -> memref<72x32xf32, #tpu.memory_space<vmem>>
      %dma_start3A_665 = arith.constant 128 : i32
      %dma_start3A_666 = tpu.memref_slice %arg5[%add3A_658, %dma_start3A_665] : memref<128x200xi32, #tpu.memory_space<vmem>> -> memref<1x72xi32, #tpu.memory_space<vmem>>
      %dma_start3A_667 = tpu.memref_squeeze %dma_start3A_666 : memref<1x72xi32, #tpu.memory_space<vmem>> -> memref<72xi32, #tpu.memory_space<vmem>>
      %dma_start3A_668 = arith.constant 0 : i32
      %dma_start3A_669 = arith.constant 0 : i32
      %dma_start3A_670 = tpu.memref_slice %arg3[%dma_start3A_668, %dma_start3A_669] : memref<1000000x32xf32, #tpu.memory_space<hbm>> -> memref<1000000x32xf32, #tpu.memory_space<hbm>>
      tpu.enqueue_indirect_dma source(%dma_start3A_670 : memref<1000000x32xf32, #tpu.memory_space<hbm>>) target(%dma_start3A_664 : memref<72x32xf32, #tpu.memory_space<vmem>>) offsets(%dma_start3A_667 : memref<72xi32, #tpu.memory_space<vmem>>) semaphore(%arg7 : memref<!tpu.dma_semaphore, #tpu.memory_space<semaphore_mem>>)
      %add3A_671 = arith.constant 1 : i32
      %add3A_672 = arith.addi %multiple_of3A_642, %add3A_671 : i32
      %dma_start3A_673 = arith.constant 0 : i32
      %dma_start3A_674 = arith.constant 1 : i32
      %dma_start3A_675 = arith.constant 0 : i32
      %dma_start3A_676 = arith.constant 0 : i32
      %dma_start3A_677 = tpu.memref_slice %arg6[%dma_start3A_673, %dma_start3A_674, %dma_start3A_675, %dma_start3A_676] : memref<2x8x200x32xf32, #tpu.memory_space<vmem>> -> memref<1x1x128x32xf32, #tpu.memory_space<vmem>>
      %dma_start3A_678 = tpu.memref_squeeze %dma_start3A_677 : memref<1x1x128x32xf32, #tpu.memory_space<vmem>> -> memref<128x32xf32, #tpu.memory_space<vmem>>
      %dma_start3A_679 = arith.constant 0 : i32
      %dma_start3A_680 = tpu.memref_slice %arg5[%add3A_672, %dma_start3A_679] : memref<128x200xi32, #tpu.memory_space<vmem>> -> memref<1x128xi32, #tpu.memory_space<vmem>>
      %dma_start3A_681 = tpu.memref_squeeze %dma_start3A_680 : memref<1x128xi32, #tpu.memory_space<vmem>> -> memref<128xi32, #tpu.memory_space<vmem>>
      %dma_start3A_682 = arith.constant 0 : i32
      %dma_start3A_683 = arith.constant 0 : i32
      %dma_start3A_684 = tpu.memref_slice %arg3[%dma_start3A_682, %dma_start3A_683] : memref<1000000x32xf32, #tpu.memory_space<hbm>> -> memref<1000000x32xf32, #tpu.memory_space<hbm>>
      tpu.enqueue_indirect_dma source(%dma_start3A_684 : memref<1000000x32xf32, #tpu.memory_space<hbm>>) target(%dma_start3A_678 : memref<128x32xf32, #tpu.memory_space<vmem>>) offsets(%dma_start3A_681 : memref<128xi32, #tpu.memory_space<vmem>>) semaphore(%arg7 : memref<!tpu.dma_semaphore, #tpu.memory_space<semaphore_mem>>)
      %add3A_685 = arith.constant 1 : i32
      %add3A_686 = arith.addi %multiple_of3A_642, %add3A_685 : i32
      %dma_start3A_687 = arith.constant 0 : i32
      %dma_start3A_688 = arith.constant 1 : i32
      %dma_start3A_689 = arith.constant 128 : i32
      %dma_start3A_690 = arith.constant 0 : i32
      %dma_start3A_691 = tpu.memref_slice %arg6[%dma_start3A_687, %dma_start3A_688, %dma_start3A_689, %dma_start3A_690] : memref<2x8x200x32xf32, #tpu.memory_space<vmem>> -> memref<1x1x72x32xf32, #tpu.memory_space<vmem>>
      %dma_start3A_692 = tpu.memref_squeeze %dma_start3A_691 : memref<1x1x72x32xf32, #tpu.memory_space<vmem>> -> memref<72x32xf32, #tpu.memory_space<vmem>>
      %dma_start3A_693 = arith.constant 128 : i32
      %dma_start3A_694 = tpu.memref_slice %arg5[%add3A_686, %dma_start3A_693] : memref<128x200xi32, #tpu.memory_space<vmem>> -> memref<1x72xi32, #tpu.memory_space<vmem>>
      %dma_start3A_695 = tpu.memref_squeeze %dma_start3A_694 : memref<1x72xi32, #tpu.memory_space<vmem>> -> memref<72xi32, #tpu.memory_space<vmem>>
      %dma_start3A_696 = arith.constant 0 : i32
      %dma_start3A_697 = arith.constant 0 : i32
      %dma_start3A_698 = tpu.memref_slice %arg3[%dma_start3A_696, %dma_start3A_697] : memref<1000000x32xf32, #tpu.memory_space<hbm>> -> memref<1000000x32xf32, #tpu.memory_space<hbm>>
      tpu.enqueue_indirect_dma source(%dma_start3A_698 : memref<1000000x32xf32, #tpu.memory_space<hbm>>) target(%dma_start3A_692 : memref<72x32xf32, #tpu.memory_space<vmem>>) offsets(%dma_start3A_695 : memref<72xi32, #tpu.memory_space<vmem>>) semaphore(%arg7 : memref<!tpu.dma_semaphore, #tpu.memory_space<semaphore_mem>>)
      %add3A_699 = arith.constant 2 : i32
      %add3A_700 = arith.addi %multiple_of3A_642, %add3A_699 : i32
      %dma_start3A_701 = arith.constant 0 : i32
      %dma_start3A_702 = arith.constant 2 : i32
      %dma_start3A_703 = arith.constant 0 : i32
      %dma_start3A_704 = arith.constant 0 : i32
      %dma_start3A_705 = tpu.memref_slice %arg6[%dma_start3A_701, %dma_start3A_702, %dma_start3A_703, %dma_start3A_704] : memref<2x8x200x32xf32, #tpu.memory_space<vmem>> -> memref<1x1x128x32xf32, #tpu.memory_space<vmem>>
      %dma_start3A_706 = tpu.memref_squeeze %dma_start3A_705 : memref<1x1x128x32xf32, #tpu.memory_space<vmem>> -> memref<128x32xf32, #tpu.memory_space<vmem>>
      %dma_start3A_707 = arith.constant 0 : i32
      %dma_start3A_708 = tpu.memref_slice %arg5[%add3A_700, %dma_start3A_707] : memref<128x200xi32, #tpu.memory_space<vmem>> -> memref<1x128xi32, #tpu.memory_space<vmem>>
      %dma_start3A_709 = tpu.memref_squeeze %dma_start3A_708 : memref<1x128xi32, #tpu.memory_space<vmem>> -> memref<128xi32, #tpu.memory_space<vmem>>
      %dma_start3A_710 = arith.constant 0 : i32
      %dma_start3A_711 = arith.constant 0 : i32
      %dma_start3A_712 = tpu.memref_slice %arg3[%dma_start3A_710, %dma_start3A_711] : memref<1000000x32xf32, #tpu.memory_space<hbm>> -> memref<1000000x32xf32, #tpu.memory_space<hbm>>
      tpu.enqueue_indirect_dma source(%dma_start3A_712 : memref<1000000x32xf32, #tpu.memory_space<hbm>>) target(%dma_start3A_706 : memref<128x32xf32, #tpu.memory_space<vmem>>) offsets(%dma_start3A_709 : memref<128xi32, #tpu.memory_space<vmem>>) semaphore(%arg7 : memref<!tpu.dma_semaphore, #tpu.memory_space<semaphore_mem>>)
      %add3A_713 = arith.constant 2 : i32
      %add3A_714 = arith.addi %multiple_of3A_642, %add3A_713 : i32
      %dma_start3A_715 = arith.constant 0 : i32
      %dma_start3A_716 = arith.constant 2 : i32
      %dma_start3A_717 = arith.constant 128 : i32
      %dma_start3A_718 = arith.constant 0 : i32
      %dma_start3A_719 = tpu.memref_slice %arg6[%dma_start3A_715, %dma_start3A_716, %dma_start3A_717, %dma_start3A_718] : memref<2x8x200x32xf32, #tpu.memory_space<vmem>> -> memref<1x1x72x32xf32, #tpu.memory_space<vmem>>
      %dma_start3A_720 = tpu.memref_squeeze %dma_start3A_719 : memref<1x1x72x32xf32, #tpu.memory_space<vmem>> -> memref<72x32xf32, #tpu.memory_space<vmem>>
      %dma_start3A_721 = arith.constant 128 : i32
      %dma_start3A_722 = tpu.memref_slice %arg5[%add3A_714, %dma_start3A_721] : memref<128x200xi32, #tpu.memory_space<vmem>> -> memref<1x72xi32, #tpu.memory_space<vmem>>
      %dma_start3A_723 = tpu.memref_squeeze %dma_start3A_722 : memref<1x72xi32, #tpu.memory_space<vmem>> -> memref<72xi32, #tpu.memory_space<vmem>>
      %dma_start3A_724 = arith.constant 0 : i32
      %dma_start3A_725 = arith.constant 0 : i32
      %dma_start3A_726 = tpu.memref_slice %arg3[%dma_start3A_724, %dma_start3A_725] : memref<1000000x32xf32, #tpu.memory_space<hbm>> -> memref<1000000x32xf32, #tpu.memory_space<hbm>>
      tpu.enqueue_indirect_dma source(%dma_start3A_726 : memref<1000000x32xf32, #tpu.memory_space<hbm>>) target(%dma_start3A_720 : memref<72x32xf32, #tpu.memory_space<vmem>>) offsets(%dma_start3A_723 : memref<72xi32, #tpu.memory_space<vmem>>) semaphore(%arg7 : memref<!tpu.dma_semaphore, #tpu.memory_space<semaphore_mem>>)
      %add3A_727 = arith.constant 3 : i32
      %add3A_728 = arith.addi %multiple_of3A_642, %add3A_727 : i32
      %dma_start3A_729 = arith.constant 0 : i32
      %dma_start3A_730 = arith.constant 3 : i32
      %dma_start3A_731 = arith.constant 0 : i32
      %dma_start3A_732 = arith.constant 0 : i32
      %dma_start3A_733 = tpu.memref_slice %arg6[%dma_start3A_729, %dma_start3A_730, %dma_start3A_731, %dma_start3A_732] : memref<2x8x200x32xf32, #tpu.memory_space<vmem>> -> memref<1x1x128x32xf32, #tpu.memory_space<vmem>>
      %dma_start3A_734 = tpu.memref_squeeze %dma_start3A_733 : memref<1x1x128x32xf32, #tpu.memory_space<vmem>> -> memref<128x32xf32, #tpu.memory_space<vmem>>
      %dma_start3A_735 = arith.constant 0 : i32
      %dma_start3A_736 = tpu.memref_slice %arg5[%add3A_728, %dma_start3A_735] : memref<128x200xi32, #tpu.memory_space<vmem>> -> memref<1x128xi32, #tpu.memory_space<vmem>>
      %dma_start3A_737 = tpu.memref_squeeze %dma_start3A_736 : memref<1x128xi32, #tpu.memory_space<vmem>> -> memref<128xi32, #tpu.memory_space<vmem>>
      %dma_start3A_738 = arith.constant 0 : i32
      %dma_start3A_739 = arith.constant 0 : i32
      %dma_start3A_740 = tpu.memref_slice %arg3[%dma_start3A_738, %dma_start3A_739] : memref<1000000x32xf32, #tpu.memory_space<hbm>> -> memref<1000000x32xf32, #tpu.memory_space<hbm>>
      tpu.enqueue_indirect_dma source(%dma_start3A_740 : memref<1000000x32xf32, #tpu.memory_space<hbm>>) target(%dma_start3A_734 : memref<128x32xf32, #tpu.memory_space<vmem>>) offsets(%dma_start3A_737 : memref<128xi32, #tpu.memory_space<vmem>>) semaphore(%arg7 : memref<!tpu.dma_semaphore, #tpu.memory_space<semaphore_mem>>)
      %add3A_741 = arith.constant 3 : i32
      %add3A_742 = arith.addi %multiple_of3A_642, %add3A_741 : i32
      %dma_start3A_743 = arith.constant 0 : i32
      %dma_start3A_744 = arith.constant 3 : i32
      %dma_start3A_745 = arith.constant 128 : i32
      %dma_start3A_746 = arith.constant 0 : i32
      %dma_start3A_747 = tpu.memref_slice %arg6[%dma_start3A_743, %dma_start3A_744, %dma_start3A_745, %dma_start3A_746] : memref<2x8x200x32xf32, #tpu.memory_space<vmem>> -> memref<1x1x72x32xf32, #tpu.memory_space<vmem>>
      %dma_start3A_748 = tpu.memref_squeeze %dma_start3A_747 : memref<1x1x72x32xf32, #tpu.memory_space<vmem>> -> memref<72x32xf32, #tpu.memory_space<vmem>>
      %dma_start3A_749 = arith.constant 128 : i32
      %dma_start3A_750 = tpu.memref_slice %arg5[%add3A_742, %dma_start3A_749] : memref<128x200xi32, #tpu.memory_space<vmem>> -> memref<1x72xi32, #tpu.memory_space<vmem>>
      %dma_start3A_751 = tpu.memref_squeeze %dma_start3A_750 : memref<1x72xi32, #tpu.memory_space<vmem>> -> memref<72xi32, #tpu.memory_space<vmem>>
      %dma_start3A_752 = arith.constant 0 : i32
      %dma_start3A_753 = arith.constant 0 : i32
      %dma_start3A_754 = tpu.memref_slice %arg3[%dma_start3A_752, %dma_start3A_753] : memref<1000000x32xf32, #tpu.memory_space<hbm>> -> memref<1000000x32xf32, #tpu.memory_space<hbm>>
      tpu.enqueue_indirect_dma source(%dma_start3A_754 : memref<1000000x32xf32, #tpu.memory_space<hbm>>) target(%dma_start3A_748 : memref<72x32xf32, #tpu.memory_space<vmem>>) offsets(%dma_start3A_751 : memref<72xi32, #tpu.memory_space<vmem>>) semaphore(%arg7 : memref<!tpu.dma_semaphore, #tpu.memory_space<semaphore_mem>>)
      %add3A_755 = arith.constant 4 : i32
      %add3A_756 = arith.addi %multiple_of3A_642, %add3A_755 : i32
      %dma_start3A_757 = arith.constant 0 : i32
      %dma_start3A_758 = arith.constant 4 : i32
      %dma_start3A_759 = arith.constant 0 : i32
      %dma_start3A_760 = arith.constant 0 : i32
      %dma_start3A_761 = tpu.memref_slice %arg6[%dma_start3A_757, %dma_start3A_758, %dma_start3A_759, %dma_start3A_760] : memref<2x8x200x32xf32, #tpu.memory_space<vmem>> -> memref<1x1x128x32xf32, #tpu.memory_space<vmem>>
      %dma_start3A_762 = tpu.memref_squeeze %dma_start3A_761 : memref<1x1x128x32xf32, #tpu.memory_space<vmem>> -> memref<128x32xf32, #tpu.memory_space<vmem>>
      %dma_start3A_763 = arith.constant 0 : i32
      %dma_start3A_764 = tpu.memref_slice %arg5[%add3A_756, %dma_start3A_763] : memref<128x200xi32, #tpu.memory_space<vmem>> -> memref<1x128xi32, #tpu.memory_space<vmem>>
      %dma_start3A_765 = tpu.memref_squeeze %dma_start3A_764 : memref<1x128xi32, #tpu.memory_space<vmem>> -> memref<128xi32, #tpu.memory_space<vmem>>
      %dma_start3A_766 = arith.constant 0 : i32
      %dma_start3A_767 = arith.constant 0 : i32
      %dma_start3A_768 = tpu.memref_slice %arg3[%dma_start3A_766, %dma_start3A_767] : memref<1000000x32xf32, #tpu.memory_space<hbm>> -> memref<1000000x32xf32, #tpu.memory_space<hbm>>
      tpu.enqueue_indirect_dma source(%dma_start3A_768 : memref<1000000x32xf32, #tpu.memory_space<hbm>>) target(%dma_start3A_762 : memref<128x32xf32, #tpu.memory_space<vmem>>) offsets(%dma_start3A_765 : memref<128xi32, #tpu.memory_space<vmem>>) semaphore(%arg7 : memref<!tpu.dma_semaphore, #tpu.memory_space<semaphore_mem>>)
      %add3A_769 = arith.constant 4 : i32
      %add3A_770 = arith.addi %multiple_of3A_642, %add3A_769 : i32
      %dma_start3A_771 = arith.constant 0 : i32
      %dma_start3A_772 = arith.constant 4 : i32
      %dma_start3A_773 = arith.constant 128 : i32
      %dma_start3A_774 = arith.constant 0 : i32
      %dma_start3A_775 = tpu.memref_slice %arg6[%dma_start3A_771, %dma_start3A_772, %dma_start3A_773, %dma_start3A_774] : memref<2x8x200x32xf32, #tpu.memory_space<vmem>> -> memref<1x1x72x32xf32, #tpu.memory_space<vmem>>
      %dma_start3A_776 = tpu.memref_squeeze %dma_start3A_775 : memref<1x1x72x32xf32, #tpu.memory_space<vmem>> -> memref<72x32xf32, #tpu.memory_space<vmem>>
      %dma_start3A_777 = arith.constant 128 : i32
      %dma_start3A_778 = tpu.memref_slice %arg5[%add3A_770, %dma_start3A_777] : memref<128x200xi32, #tpu.memory_space<vmem>> -> memref<1x72xi32, #tpu.memory_space<vmem>>
      %dma_start3A_779 = tpu.memref_squeeze %dma_start3A_778 : memref<1x72xi32, #tpu.memory_space<vmem>> -> memref<72xi32, #tpu.memory_space<vmem>>
      %dma_start3A_780 = arith.constant 0 : i32
      %dma_start3A_781 = arith.constant 0 : i32
      %dma_start3A_782 = tpu.memref_slice %arg3[%dma_start3A_780, %dma_start3A_781] : memref<1000000x32xf32, #tpu.memory_space<hbm>> -> memref<1000000x32xf32, #tpu.memory_space<hbm>>
      tpu.enqueue_indirect_dma source(%dma_start3A_782 : memref<1000000x32xf32, #tpu.memory_space<hbm>>) target(%dma_start3A_776 : memref<72x32xf32, #tpu.memory_space<vmem>>) offsets(%dma_start3A_779 : memref<72xi32, #tpu.memory_space<vmem>>) semaphore(%arg7 : memref<!tpu.dma_semaphore, #tpu.memory_space<semaphore_mem>>)
      %add3A_783 = arith.constant 5 : i32
      %add3A_784 = arith.addi %multiple_of3A_642, %add3A_783 : i32
      %dma_start3A_785 = arith.constant 0 : i32
      %dma_start3A_786 = arith.constant 5 : i32
      %dma_start3A_787 = arith.constant 0 : i32
      %dma_start3A_788 = arith.constant 0 : i32
      %dma_start3A_789 = tpu.memref_slice %arg6[%dma_start3A_785, %dma_start3A_786, %dma_start3A_787, %dma_start3A_788] : memref<2x8x200x32xf32, #tpu.memory_space<vmem>> -> memref<1x1x128x32xf32, #tpu.memory_space<vmem>>
      %dma_start3A_790 = tpu.memref_squeeze %dma_start3A_789 : memref<1x1x128x32xf32, #tpu.memory_space<vmem>> -> memref<128x32xf32, #tpu.memory_space<vmem>>
      %dma_start3A_791 = arith.constant 0 : i32
      %dma_start3A_792 = tpu.memref_slice %arg5[%add3A_784, %dma_start3A_791] : memref<128x200xi32, #tpu.memory_space<vmem>> -> memref<1x128xi32, #tpu.memory_space<vmem>>
      %dma_start3A_793 = tpu.memref_squeeze %dma_start3A_792 : memref<1x128xi32, #tpu.memory_space<vmem>> -> memref<128xi32, #tpu.memory_space<vmem>>
      %dma_start3A_794 = arith.constant 0 : i32
      %dma_start3A_795 = arith.constant 0 : i32
      %dma_start3A_796 = tpu.memref_slice %arg3[%dma_start3A_794, %dma_start3A_795] : memref<1000000x32xf32, #tpu.memory_space<hbm>> -> memref<1000000x32xf32, #tpu.memory_space<hbm>>
      tpu.enqueue_indirect_dma source(%dma_start3A_796 : memref<1000000x32xf32, #tpu.memory_space<hbm>>) target(%dma_start3A_790 : memref<128x32xf32, #tpu.memory_space<vmem>>) offsets(%dma_start3A_793 : memref<128xi32, #tpu.memory_space<vmem>>) semaphore(%arg7 : memref<!tpu.dma_semaphore, #tpu.memory_space<semaphore_mem>>)
      %add3A_797 = arith.constant 5 : i32
      %add3A_798 = arith.addi %multiple_of3A_642, %add3A_797 : i32
      %dma_start3A_799 = arith.constant 0 : i32
      %dma_start3A_800 = arith.constant 5 : i32
      %dma_start3A_801 = arith.constant 128 : i32
      %dma_start3A_802 = arith.constant 0 : i32
      %dma_start3A_803 = tpu.memref_slice %arg6[%dma_start3A_799, %dma_start3A_800, %dma_start3A_801, %dma_start3A_802] : memref<2x8x200x32xf32, #tpu.memory_space<vmem>> -> memref<1x1x72x32xf32, #tpu.memory_space<vmem>>
      %dma_start3A_804 = tpu.memref_squeeze %dma_start3A_803 : memref<1x1x72x32xf32, #tpu.memory_space<vmem>> -> memref<72x32xf32, #tpu.memory_space<vmem>>
      %dma_start3A_805 = arith.constant 128 : i32
      %dma_start3A_806 = tpu.memref_slice %arg5[%add3A_798, %dma_start3A_805] : memref<128x200xi32, #tpu.memory_space<vmem>> -> memref<1x72xi32, #tpu.memory_space<vmem>>
      %dma_start3A_807 = tpu.memref_squeeze %dma_start3A_806 : memref<1x72xi32, #tpu.memory_space<vmem>> -> memref<72xi32, #tpu.memory_space<vmem>>
      %dma_start3A_808 = arith.constant 0 : i32
      %dma_start3A_809 = arith.constant 0 : i32
      %dma_start3A_810 = tpu.memref_slice %arg3[%dma_start3A_808, %dma_start3A_809] : memref<1000000x32xf32, #tpu.memory_space<hbm>> -> memref<1000000x32xf32, #tpu.memory_space<hbm>>
      tpu.enqueue_indirect_dma source(%dma_start3A_810 : memref<1000000x32xf32, #tpu.memory_space<hbm>>) target(%dma_start3A_804 : memref<72x32xf32, #tpu.memory_space<vmem>>) offsets(%dma_start3A_807 : memref<72xi32, #tpu.memory_space<vmem>>) semaphore(%arg7 : memref<!tpu.dma_semaphore, #tpu.memory_space<semaphore_mem>>)
      %add3A_811 = arith.constant 6 : i32
      %add3A_812 = arith.addi %multiple_of3A_642, %add3A_811 : i32
      %dma_start3A_813 = arith.constant 0 : i32
      %dma_start3A_814 = arith.constant 6 : i32
      %dma_start3A_815 = arith.constant 0 : i32
      %dma_start3A_816 = arith.constant 0 : i32
      %dma_start3A_817 = tpu.memref_slice %arg6[%dma_start3A_813, %dma_start3A_814, %dma_start3A_815, %dma_start3A_816] : memref<2x8x200x32xf32, #tpu.memory_space<vmem>> -> memref<1x1x128x32xf32, #tpu.memory_space<vmem>>
      %dma_start3A_818 = tpu.memref_squeeze %dma_start3A_817 : memref<1x1x128x32xf32, #tpu.memory_space<vmem>> -> memref<128x32xf32, #tpu.memory_space<vmem>>
      %dma_start3A_819 = arith.constant 0 : i32
      %dma_start3A_820 = tpu.memref_slice %arg5[%add3A_812, %dma_start3A_819] : memref<128x200xi32, #tpu.memory_space<vmem>> -> memref<1x128xi32, #tpu.memory_space<vmem>>
      %dma_start3A_821 = tpu.memref_squeeze %dma_start3A_820 : memref<1x128xi32, #tpu.memory_space<vmem>> -> memref<128xi32, #tpu.memory_space<vmem>>
      %dma_start3A_822 = arith.constant 0 : i32
      %dma_start3A_823 = arith.constant 0 : i32
      %dma_start3A_824 = tpu.memref_slice %arg3[%dma_start3A_822, %dma_start3A_823] : memref<1000000x32xf32, #tpu.memory_space<hbm>> -> memref<1000000x32xf32, #tpu.memory_space<hbm>>
      tpu.enqueue_indirect_dma source(%dma_start3A_824 : memref<1000000x32xf32, #tpu.memory_space<hbm>>) target(%dma_start3A_818 : memref<128x32xf32, #tpu.memory_space<vmem>>) offsets(%dma_start3A_821 : memref<128xi32, #tpu.memory_space<vmem>>) semaphore(%arg7 : memref<!tpu.dma_semaphore, #tpu.memory_space<semaphore_mem>>)
      %add3A_825 = arith.constant 6 : i32
      %add3A_826 = arith.addi %multiple_of3A_642, %add3A_825 : i32
      %dma_start3A_827 = arith.constant 0 : i32
      %dma_start3A_828 = arith.constant 6 : i32
      %dma_start3A_829 = arith.constant 128 : i32
      %dma_start3A_830 = arith.constant 0 : i32
      %dma_start3A_831 = tpu.memref_slice %arg6[%dma_start3A_827, %dma_start3A_828, %dma_start3A_829, %dma_start3A_830] : memref<2x8x200x32xf32, #tpu.memory_space<vmem>> -> memref<1x1x72x32xf32, #tpu.memory_space<vmem>>
      %dma_start3A_832 = tpu.memref_squeeze %dma_start3A_831 : memref<1x1x72x32xf32, #tpu.memory_space<vmem>> -> memref<72x32xf32, #tpu.memory_space<vmem>>
      %dma_start3A_833 = arith.constant 128 : i32
      %dma_start3A_834 = tpu.memref_slice %arg5[%add3A_826, %dma_start3A_833] : memref<128x200xi32, #tpu.memory_space<vmem>> -> memref<1x72xi32, #tpu.memory_space<vmem>>
      %dma_start3A_835 = tpu.memref_squeeze %dma_start3A_834 : memref<1x72xi32, #tpu.memory_space<vmem>> -> memref<72xi32, #tpu.memory_space<vmem>>
      %dma_start3A_836 = arith.constant 0 : i32
      %dma_start3A_837 = arith.constant 0 : i32
      %dma_start3A_838 = tpu.memref_slice %arg3[%dma_start3A_836, %dma_start3A_837] : memref<1000000x32xf32, #tpu.memory_space<hbm>> -> memref<1000000x32xf32, #tpu.memory_space<hbm>>
      tpu.enqueue_indirect_dma source(%dma_start3A_838 : memref<1000000x32xf32, #tpu.memory_space<hbm>>) target(%dma_start3A_832 : memref<72x32xf32, #tpu.memory_space<vmem>>) offsets(%dma_start3A_835 : memref<72xi32, #tpu.memory_space<vmem>>) semaphore(%arg7 : memref<!tpu.dma_semaphore, #tpu.memory_space<semaphore_mem>>)
      %add3A_839 = arith.constant 7 : i32
      %add3A_840 = arith.addi %multiple_of3A_642, %add3A_839 : i32
      %dma_start3A_841 = arith.constant 0 : i32
      %dma_start3A_842 = arith.constant 7 : i32
      %dma_start3A_843 = arith.constant 0 : i32
      %dma_start3A_844 = arith.constant 0 : i32
      %dma_start3A_845 = tpu.memref_slice %arg6[%dma_start3A_841, %dma_start3A_842, %dma_start3A_843, %dma_start3A_844] : memref<2x8x200x32xf32, #tpu.memory_space<vmem>> -> memref<1x1x128x32xf32, #tpu.memory_space<vmem>>
      %dma_start3A_846 = tpu.memref_squeeze %dma_start3A_845 : memref<1x1x128x32xf32, #tpu.memory_space<vmem>> -> memref<128x32xf32, #tpu.memory_space<vmem>>
      %dma_start3A_847 = arith.constant 0 : i32
      %dma_start3A_848 = tpu.memref_slice %arg5[%add3A_840, %dma_start3A_847] : memref<128x200xi32, #tpu.memory_space<vmem>> -> memref<1x128xi32, #tpu.memory_space<vmem>>
      %dma_start3A_849 = tpu.memref_squeeze %dma_start3A_848 : memref<1x128xi32, #tpu.memory_space<vmem>> -> memref<128xi32, #tpu.memory_space<vmem>>
      %dma_start3A_850 = arith.constant 0 : i32
      %dma_start3A_851 = arith.constant 0 : i32
      %dma_start3A_852 = tpu.memref_slice %arg3[%dma_start3A_850, %dma_start3A_851] : memref<1000000x32xf32, #tpu.memory_space<hbm>> -> memref<1000000x32xf32, #tpu.memory_space<hbm>>
      tpu.enqueue_indirect_dma source(%dma_start3A_852 : memref<1000000x32xf32, #tpu.memory_space<hbm>>) target(%dma_start3A_846 : memref<128x32xf32, #tpu.memory_space<vmem>>) offsets(%dma_start3A_849 : memref<128xi32, #tpu.memory_space<vmem>>) semaphore(%arg7 : memref<!tpu.dma_semaphore, #tpu.memory_space<semaphore_mem>>)
      %add3A_853 = arith.constant 7 : i32
      %add3A_854 = arith.addi %multiple_of3A_642, %add3A_853 : i32
      %dma_start3A_855 = arith.constant 0 : i32
      %dma_start3A_856 = arith.constant 7 : i32
      %dma_start3A_857 = arith.constant 128 : i32
      %dma_start3A_858 = arith.constant 0 : i32
      %dma_start3A_859 = tpu.memref_slice %arg6[%dma_start3A_855, %dma_start3A_856, %dma_start3A_857, %dma_start3A_858] : memref<2x8x200x32xf32, #tpu.memory_space<vmem>> -> memref<1x1x72x32xf32, #tpu.memory_space<vmem>>
      %dma_start3A_860 = tpu.memref_squeeze %dma_start3A_859 : memref<1x1x72x32xf32, #tpu.memory_space<vmem>> -> memref<72x32xf32, #tpu.memory_space<vmem>>
      %dma_start3A_861 = arith.constant 128 : i32
      %dma_start3A_862 = tpu.memref_slice %arg5[%add3A_854, %dma_start3A_861] : memref<128x200xi32, #tpu.memory_space<vmem>> -> memref<1x72xi32, #tpu.memory_space<vmem>>
      %dma_start3A_863 = tpu.memref_squeeze %dma_start3A_862 : memref<1x72xi32, #tpu.memory_space<vmem>> -> memref<72xi32, #tpu.memory_space<vmem>>
      %dma_start3A_864 = arith.constant 0 : i32
      %dma_start3A_865 = arith.constant 0 : i32
      %dma_start3A_866 = tpu.memref_slice %arg3[%dma_start3A_864, %dma_start3A_865] : memref<1000000x32xf32, #tpu.memory_space<hbm>> -> memref<1000000x32xf32, #tpu.memory_space<hbm>>
      tpu.enqueue_indirect_dma source(%dma_start3A_866 : memref<1000000x32xf32, #tpu.memory_space<hbm>>) target(%dma_start3A_860 : memref<72x32xf32, #tpu.memory_space<vmem>>) offsets(%dma_start3A_863 : memref<72xi32, #tpu.memory_space<vmem>>) semaphore(%arg7 : memref<!tpu.dma_semaphore, #tpu.memory_space<semaphore_mem>>)
      %dma_wait3A_867 = arith.constant 0 : i32
      %dma_wait3A_868 = arith.constant 0 : i32
      %dma_wait3A_869 = arith.constant 0 : i32
      %dma_wait3A_870 = arith.constant 0 : i32
      %dma_wait3A_871 = tpu.memref_slice %arg6[%dma_wait3A_867, %dma_wait3A_868, %dma_wait3A_869, %dma_wait3A_870] : memref<2x8x200x32xf32, #tpu.memory_space<vmem>> -> memref<1x8x200x32xf32, #tpu.memory_space<vmem>>
      %dma_wait3A_872 = tpu.memref_squeeze %dma_wait3A_871 : memref<1x8x200x32xf32, #tpu.memory_space<vmem>> -> memref<8x200x32xf32, #tpu.memory_space<vmem>>
      %dma_wait3A_873 = arith.constant 0 : i32
      %dma_wait3A_874 = arith.constant 0 : i32
      %dma_wait3A_875 = arith.constant 0 : i32
      %dma_wait3A_876 = tpu.memref_slice %arg4[%dma_wait3A_873, %dma_wait3A_874, %dma_wait3A_875] : memref<4096x200x32xf32, #tpu.memory_space<hbm>> -> memref<8x200x32xf32, #tpu.memory_space<hbm>>
      %dma_wait3A_877 = arith.constant 0 : i32
      %dma_wait3A_878 = arith.constant 0 : i32
      %dma_wait3A_879 = arith.constant 0 : i32
      %dma_wait3A_880 = tpu.memref_slice %arg6[%dma_wait3A_867, %dma_wait3A_877, %dma_wait3A_878, %dma_wait3A_879] : memref<2x8x200x32xf32, #tpu.memory_space<vmem>> -> memref<1x8x200x32xf32, #tpu.memory_space<vmem>>
      %dma_wait3A_881 = tpu.memref_squeeze %dma_wait3A_880 : memref<1x8x200x32xf32, #tpu.memory_space<vmem>> -> memref<8x200x32xf32, #tpu.memory_space<vmem>>
      %dma_wait3A_882 = arith.constant 0 : i32
      %dma_wait3A_883 = arith.constant 0 : i32
      %dma_wait3A_884 = arith.constant 0 : i32
      %dma_wait3A_885 = tpu.memref_slice %arg4[%dma_wait3A_882, %dma_wait3A_883, %dma_wait3A_884] : memref<4096x200x32xf32, #tpu.memory_space<hbm>> -> memref<8x200x32xf32, #tpu.memory_space<hbm>>
      tpu.wait_dma2 semaphore(%arg7 : memref<!tpu.dma_semaphore, #tpu.memory_space<semaphore_mem>>) src(%dma_wait3A_885 : memref<8x200x32xf32, #tpu.memory_space<hbm>>) dst(%dma_wait3A_881 : memref<8x200x32xf32, #tpu.memory_space<vmem>>)
      %mul3A_886 = arith.constant 8 : i32
      %mul3A_887 = arith.muli %multiple_of3A_579, %mul3A_886 : i32
      %add3A_888 = arith.addi %mul3A_2, %mul3A_887 : i32
      %multiple_of3A_889 = tpu.assume_multiple %add3A_888, 8 : i32
      %dma_start3A_890 = arith.constant 0 : i32
      %dma_start3A_891 = arith.constant 0 : i32
      %dma_start3A_892 = arith.constant 0 : i32
      %dma_start3A_893 = arith.constant 0 : i32
      %dma_start3A_894 = tpu.memref_slice %arg6[%dma_start3A_890, %dma_start3A_891, %dma_start3A_892, %dma_start3A_893] : memref<2x8x200x32xf32, #tpu.memory_space<vmem>> -> memref<1x8x200x32xf32, #tpu.memory_space<vmem>>
      %dma_start3A_895 = tpu.memref_squeeze %dma_start3A_894 : memref<1x8x200x32xf32, #tpu.memory_space<vmem>> -> memref<8x200x32xf32, #tpu.memory_space<vmem>>
      %dma_start3A_896 = arith.constant 0 : i32
      %dma_start3A_897 = arith.constant 0 : i32
      %dma_start3A_898 = tpu.memref_slice %arg4[%multiple_of3A_889, %dma_start3A_896, %dma_start3A_897] : memref<4096x200x32xf32, #tpu.memory_space<hbm>> -> memref<8x200x32xf32, #tpu.memory_space<hbm>>
      %dma_start3A_899 = arith.constant 0 : i32
      %dma_start3A_900 = arith.constant 0 : i32
      %dma_start3A_901 = tpu.memref_slice %arg4[%multiple_of3A_889, %dma_start3A_899, %dma_start3A_900] : memref<4096x200x32xf32, #tpu.memory_space<hbm>> -> memref<8x200x32xf32, #tpu.memory_space<hbm>>
      %dma_start3A_902 = arith.constant 0 : i32
      %dma_start3A_903 = arith.constant 0 : i32
      %dma_start3A_904 = arith.constant 0 : i32
      %dma_start3A_905 = tpu.memref_slice %arg6[%dma_start3A_890, %dma_start3A_902, %dma_start3A_903, %dma_start3A_904] : memref<2x8x200x32xf32, #tpu.memory_space<vmem>> -> memref<1x8x200x32xf32, #tpu.memory_space<vmem>>
      %dma_start3A_906 = tpu.memref_squeeze %dma_start3A_905 : memref<1x8x200x32xf32, #tpu.memory_space<vmem>> -> memref<8x200x32xf32, #tpu.memory_space<vmem>>
      tpu.enqueue_dma source(%dma_start3A_906 : memref<8x200x32xf32, #tpu.memory_space<vmem>>) target(%dma_start3A_901 : memref<8x200x32xf32, #tpu.memory_space<hbm>>) target_semaphore(%arg9 : memref<!tpu.dma_semaphore, #tpu.memory_space<semaphore_mem>>)
      %dma_wait3A_907 = arith.constant 1 : i32
      %dma_wait3A_908 = arith.constant 0 : i32
      %dma_wait3A_909 = arith.constant 0 : i32
      %dma_wait3A_910 = arith.constant 0 : i32
      %dma_wait3A_911 = tpu.memref_slice %arg6[%dma_wait3A_907, %dma_wait3A_908, %dma_wait3A_909, %dma_wait3A_910] : memref<2x8x200x32xf32, #tpu.memory_space<vmem>> -> memref<1x8x200x32xf32, #tpu.memory_space<vmem>>
      %dma_wait3A_912 = tpu.memref_squeeze %dma_wait3A_911 : memref<1x8x200x32xf32, #tpu.memory_space<vmem>> -> memref<8x200x32xf32, #tpu.memory_space<vmem>>
      %dma_wait3A_913 = arith.constant 0 : i32
      %dma_wait3A_914 = arith.constant 0 : i32
      %dma_wait3A_915 = arith.constant 0 : i32
      %dma_wait3A_916 = tpu.memref_slice %arg4[%dma_wait3A_913, %dma_wait3A_914, %dma_wait3A_915] : memref<4096x200x32xf32, #tpu.memory_space<hbm>> -> memref<8x200x32xf32, #tpu.memory_space<hbm>>
      %dma_wait3A_917 = arith.constant 0 : i32
      %dma_wait3A_918 = arith.constant 0 : i32
      %dma_wait3A_919 = arith.constant 0 : i32
      %dma_wait3A_920 = tpu.memref_slice %arg4[%dma_wait3A_917, %dma_wait3A_918, %dma_wait3A_919] : memref<4096x200x32xf32, #tpu.memory_space<hbm>> -> memref<8x200x32xf32, #tpu.memory_space<hbm>>
      %dma_wait3A_921 = arith.constant 0 : i32
      %dma_wait3A_922 = arith.constant 0 : i32
      %dma_wait3A_923 = arith.constant 0 : i32
      %dma_wait3A_924 = tpu.memref_slice %arg6[%dma_wait3A_907, %dma_wait3A_921, %dma_wait3A_922, %dma_wait3A_923] : memref<2x8x200x32xf32, #tpu.memory_space<vmem>> -> memref<1x8x200x32xf32, #tpu.memory_space<vmem>>
      %dma_wait3A_925 = tpu.memref_squeeze %dma_wait3A_924 : memref<1x8x200x32xf32, #tpu.memory_space<vmem>> -> memref<8x200x32xf32, #tpu.memory_space<vmem>>
      tpu.wait_dma2 semaphore(%arg10 : memref<!tpu.dma_semaphore, #tpu.memory_space<semaphore_mem>>) src(%dma_wait3A_925 : memref<8x200x32xf32, #tpu.memory_space<vmem>>) dst(%dma_wait3A_920 : memref<8x200x32xf32, #tpu.memory_space<hbm>>)
      %add3A_926 = arith.constant 1 : i32
      %add3A_927 = arith.addi %multiple_of3A_579, %add3A_926 : i32
      %mul3A_928 = arith.constant 8 : i32
      %mul3A_929 = arith.muli %add3A_927, %mul3A_928 : i32
      %multiple_of3A_930 = tpu.assume_multiple %mul3A_929, 8 : i32
      %add3A_931 = arith.constant 0 : i32
      %add3A_932 = arith.addi %multiple_of3A_930, %add3A_931 : i32
      %dma_start3A_933 = arith.constant 1 : i32
      %dma_start3A_934 = arith.constant 0 : i32
      %dma_start3A_935 = arith.constant 0 : i32
      %dma_start3A_936 = arith.constant 0 : i32
      %dma_start3A_937 = tpu.memref_slice %arg6[%dma_start3A_933, %dma_start3A_934, %dma_start3A_935, %dma_start3A_936] : memref<2x8x200x32xf32, #tpu.memory_space<vmem>> -> memref<1x1x128x32xf32, #tpu.memory_space<vmem>>
      %dma_start3A_938 = tpu.memref_squeeze %dma_start3A_937 : memref<1x1x128x32xf32, #tpu.memory_space<vmem>> -> memref<128x32xf32, #tpu.memory_space<vmem>>
      %dma_start3A_939 = arith.constant 0 : i32
      %dma_start3A_940 = tpu.memref_slice %arg5[%add3A_932, %dma_start3A_939] : memref<128x200xi32, #tpu.memory_space<vmem>> -> memref<1x128xi32, #tpu.memory_space<vmem>>
      %dma_start3A_941 = tpu.memref_squeeze %dma_start3A_940 : memref<1x128xi32, #tpu.memory_space<vmem>> -> memref<128xi32, #tpu.memory_space<vmem>>
      %dma_start3A_942 = arith.constant 0 : i32
      %dma_start3A_943 = arith.constant 0 : i32
      %dma_start3A_944 = tpu.memref_slice %arg3[%dma_start3A_942, %dma_start3A_943] : memref<1000000x32xf32, #tpu.memory_space<hbm>> -> memref<1000000x32xf32, #tpu.memory_space<hbm>>
      tpu.enqueue_indirect_dma source(%dma_start3A_944 : memref<1000000x32xf32, #tpu.memory_space<hbm>>) target(%dma_start3A_938 : memref<128x32xf32, #tpu.memory_space<vmem>>) offsets(%dma_start3A_941 : memref<128xi32, #tpu.memory_space<vmem>>) semaphore(%arg8 : memref<!tpu.dma_semaphore, #tpu.memory_space<semaphore_mem>>)
      %add3A_945 = arith.constant 0 : i32
      %add3A_946 = arith.addi %multiple_of3A_930, %add3A_945 : i32
      %dma_start3A_947 = arith.constant 1 : i32
      %dma_start3A_948 = arith.constant 0 : i32
      %dma_start3A_949 = arith.constant 128 : i32
      %dma_start3A_950 = arith.constant 0 : i32
      %dma_start3A_951 = tpu.memref_slice %arg6[%dma_start3A_947, %dma_start3A_948, %dma_start3A_949, %dma_start3A_950] : memref<2x8x200x32xf32, #tpu.memory_space<vmem>> -> memref<1x1x72x32xf32, #tpu.memory_space<vmem>>
      %dma_start3A_952 = tpu.memref_squeeze %dma_start3A_951 : memref<1x1x72x32xf32, #tpu.memory_space<vmem>> -> memref<72x32xf32, #tpu.memory_space<vmem>>
      %dma_start3A_953 = arith.constant 128 : i32
      %dma_start3A_954 = tpu.memref_slice %arg5[%add3A_946, %dma_start3A_953] : memref<128x200xi32, #tpu.memory_space<vmem>> -> memref<1x72xi32, #tpu.memory_space<vmem>>
      %dma_start3A_955 = tpu.memref_squeeze %dma_start3A_954 : memref<1x72xi32, #tpu.memory_space<vmem>> -> memref<72xi32, #tpu.memory_space<vmem>>
      %dma_start3A_956 = arith.constant 0 : i32
      %dma_start3A_957 = arith.constant 0 : i32
      %dma_start3A_958 = tpu.memref_slice %arg3[%dma_start3A_956, %dma_start3A_957] : memref<1000000x32xf32, #tpu.memory_space<hbm>> -> memref<1000000x32xf32, #tpu.memory_space<hbm>>
      tpu.enqueue_indirect_dma source(%dma_start3A_958 : memref<1000000x32xf32, #tpu.memory_space<hbm>>) target(%dma_start3A_952 : memref<72x32xf32, #tpu.memory_space<vmem>>) offsets(%dma_start3A_955 : memref<72xi32, #tpu.memory_space<vmem>>) semaphore(%arg8 : memref<!tpu.dma_semaphore, #tpu.memory_space<semaphore_mem>>)
      %add3A_959 = arith.constant 1 : i32
      %add3A_960 = arith.addi %multiple_of3A_930, %add3A_959 : i32
      %dma_start3A_961 = arith.constant 1 : i32
      %dma_start3A_962 = arith.constant 1 : i32
      %dma_start3A_963 = arith.constant 0 : i32
      %dma_start3A_964 = arith.constant 0 : i32
      %dma_start3A_965 = tpu.memref_slice %arg6[%dma_start3A_961, %dma_start3A_962, %dma_start3A_963, %dma_start3A_964] : memref<2x8x200x32xf32, #tpu.memory_space<vmem>> -> memref<1x1x128x32xf32, #tpu.memory_space<vmem>>
      %dma_start3A_966 = tpu.memref_squeeze %dma_start3A_965 : memref<1x1x128x32xf32, #tpu.memory_space<vmem>> -> memref<128x32xf32, #tpu.memory_space<vmem>>
      %dma_start3A_967 = arith.constant 0 : i32
      %dma_start3A_968 = tpu.memref_slice %arg5[%add3A_960, %dma_start3A_967] : memref<128x200xi32, #tpu.memory_space<vmem>> -> memref<1x128xi32, #tpu.memory_space<vmem>>
      %dma_start3A_969 = tpu.memref_squeeze %dma_start3A_968 : memref<1x128xi32, #tpu.memory_space<vmem>> -> memref<128xi32, #tpu.memory_space<vmem>>
      %dma_start3A_970 = arith.constant 0 : i32
      %dma_start3A_971 = arith.constant 0 : i32
      %dma_start3A_972 = tpu.memref_slice %arg3[%dma_start3A_970, %dma_start3A_971] : memref<1000000x32xf32, #tpu.memory_space<hbm>> -> memref<1000000x32xf32, #tpu.memory_space<hbm>>
      tpu.enqueue_indirect_dma source(%dma_start3A_972 : memref<1000000x32xf32, #tpu.memory_space<hbm>>) target(%dma_start3A_966 : memref<128x32xf32, #tpu.memory_space<vmem>>) offsets(%dma_start3A_969 : memref<128xi32, #tpu.memory_space<vmem>>) semaphore(%arg8 : memref<!tpu.dma_semaphore, #tpu.memory_space<semaphore_mem>>)
      %add3A_973 = arith.constant 1 : i32
      %add3A_974 = arith.addi %multiple_of3A_930, %add3A_973 : i32
      %dma_start3A_975 = arith.constant 1 : i32
      %dma_start3A_976 = arith.constant 1 : i32
      %dma_start3A_977 = arith.constant 128 : i32
      %dma_start3A_978 = arith.constant 0 : i32
      %dma_start3A_979 = tpu.memref_slice %arg6[%dma_start3A_975, %dma_start3A_976, %dma_start3A_977, %dma_start3A_978] : memref<2x8x200x32xf32, #tpu.memory_space<vmem>> -> memref<1x1x72x32xf32, #tpu.memory_space<vmem>>
      %dma_start3A_980 = tpu.memref_squeeze %dma_start3A_979 : memref<1x1x72x32xf32, #tpu.memory_space<vmem>> -> memref<72x32xf32, #tpu.memory_space<vmem>>
      %dma_start3A_981 = arith.constant 128 : i32
      %dma_start3A_982 = tpu.memref_slice %arg5[%add3A_974, %dma_start3A_981] : memref<128x200xi32, #tpu.memory_space<vmem>> -> memref<1x72xi32, #tpu.memory_space<vmem>>
      %dma_start3A_983 = tpu.memref_squeeze %dma_start3A_982 : memref<1x72xi32, #tpu.memory_space<vmem>> -> memref<72xi32, #tpu.memory_space<vmem>>
      %dma_start3A_984 = arith.constant 0 : i32
      %dma_start3A_985 = arith.constant 0 : i32
      %dma_start3A_986 = tpu.memref_slice %arg3[%dma_start3A_984, %dma_start3A_985] : memref<1000000x32xf32, #tpu.memory_space<hbm>> -> memref<1000000x32xf32, #tpu.memory_space<hbm>>
      tpu.enqueue_indirect_dma source(%dma_start3A_986 : memref<1000000x32xf32, #tpu.memory_space<hbm>>) target(%dma_start3A_980 : memref<72x32xf32, #tpu.memory_space<vmem>>) offsets(%dma_start3A_983 : memref<72xi32, #tpu.memory_space<vmem>>) semaphore(%arg8 : memref<!tpu.dma_semaphore, #tpu.memory_space<semaphore_mem>>)
      %add3A_987 = arith.constant 2 : i32
      %add3A_988 = arith.addi %multiple_of3A_930, %add3A_987 : i32
      %dma_start3A_989 = arith.constant 1 : i32
      %dma_start3A_990 = arith.constant 2 : i32
      %dma_start3A_991 = arith.constant 0 : i32
      %dma_start3A_992 = arith.constant 0 : i32
      %dma_start3A_993 = tpu.memref_slice %arg6[%dma_start3A_989, %dma_start3A_990, %dma_start3A_991, %dma_start3A_992] : memref<2x8x200x32xf32, #tpu.memory_space<vmem>> -> memref<1x1x128x32xf32, #tpu.memory_space<vmem>>
      %dma_start3A_994 = tpu.memref_squeeze %dma_start3A_993 : memref<1x1x128x32xf32, #tpu.memory_space<vmem>> -> memref<128x32xf32, #tpu.memory_space<vmem>>
      %dma_start3A_995 = arith.constant 0 : i32
      %dma_start3A_996 = tpu.memref_slice %arg5[%add3A_988, %dma_start3A_995] : memref<128x200xi32, #tpu.memory_space<vmem>> -> memref<1x128xi32, #tpu.memory_space<vmem>>
      %dma_start3A_997 = tpu.memref_squeeze %dma_start3A_996 : memref<1x128xi32, #tpu.memory_space<vmem>> -> memref<128xi32, #tpu.memory_space<vmem>>
      %dma_start3A_998 = arith.constant 0 : i32
      %dma_start3A_999 = arith.constant 0 : i32
      %dma_start3A_1000 = tpu.memref_slice %arg3[%dma_start3A_998, %dma_start3A_999] : memref<1000000x32xf32, #tpu.memory_space<hbm>> -> memref<1000000x32xf32, #tpu.memory_space<hbm>>
      tpu.enqueue_indirect_dma source(%dma_start3A_1000 : memref<1000000x32xf32, #tpu.memory_space<hbm>>) target(%dma_start3A_994 : memref<128x32xf32, #tpu.memory_space<vmem>>) offsets(%dma_start3A_997 : memref<128xi32, #tpu.memory_space<vmem>>) semaphore(%arg8 : memref<!tpu.dma_semaphore, #tpu.memory_space<semaphore_mem>>)
      %add3A_1001 = arith.constant 2 : i32
      %add3A_1002 = arith.addi %multiple_of3A_930, %add3A_1001 : i32
      %dma_start3A_1003 = arith.constant 1 : i32
      %dma_start3A_1004 = arith.constant 2 : i32
      %dma_start3A_1005 = arith.constant 128 : i32
      %dma_start3A_1006 = arith.constant 0 : i32
      %dma_start3A_1007 = tpu.memref_slice %arg6[%dma_start3A_1003, %dma_start3A_1004, %dma_start3A_1005, %dma_start3A_1006] : memref<2x8x200x32xf32, #tpu.memory_space<vmem>> -> memref<1x1x72x32xf32, #tpu.memory_space<vmem>>
      %dma_start3A_1008 = tpu.memref_squeeze %dma_start3A_1007 : memref<1x1x72x32xf32, #tpu.memory_space<vmem>> -> memref<72x32xf32, #tpu.memory_space<vmem>>
      %dma_start3A_1009 = arith.constant 128 : i32
      %dma_start3A_1010 = tpu.memref_slice %arg5[%add3A_1002, %dma_start3A_1009] : memref<128x200xi32, #tpu.memory_space<vmem>> -> memref<1x72xi32, #tpu.memory_space<vmem>>
      %dma_start3A_1011 = tpu.memref_squeeze %dma_start3A_1010 : memref<1x72xi32, #tpu.memory_space<vmem>> -> memref<72xi32, #tpu.memory_space<vmem>>
      %dma_start3A_1012 = arith.constant 0 : i32
      %dma_start3A_1013 = arith.constant 0 : i32
      %dma_start3A_1014 = tpu.memref_slice %arg3[%dma_start3A_1012, %dma_start3A_1013] : memref<1000000x32xf32, #tpu.memory_space<hbm>> -> memref<1000000x32xf32, #tpu.memory_space<hbm>>
      tpu.enqueue_indirect_dma source(%dma_start3A_1014 : memref<1000000x32xf32, #tpu.memory_space<hbm>>) target(%dma_start3A_1008 : memref<72x32xf32, #tpu.memory_space<vmem>>) offsets(%dma_start3A_1011 : memref<72xi32, #tpu.memory_space<vmem>>) semaphore(%arg8 : memref<!tpu.dma_semaphore, #tpu.memory_space<semaphore_mem>>)
      %add3A_1015 = arith.constant 3 : i32
      %add3A_1016 = arith.addi %multiple_of3A_930, %add3A_1015 : i32
      %dma_start3A_1017 = arith.constant 1 : i32
      %dma_start3A_1018 = arith.constant 3 : i32
      %dma_start3A_1019 = arith.constant 0 : i32
      %dma_start3A_1020 = arith.constant 0 : i32
      %dma_start3A_1021 = tpu.memref_slice %arg6[%dma_start3A_1017, %dma_start3A_1018, %dma_start3A_1019, %dma_start3A_1020] : memref<2x8x200x32xf32, #tpu.memory_space<vmem>> -> memref<1x1x128x32xf32, #tpu.memory_space<vmem>>
      %dma_start3A_1022 = tpu.memref_squeeze %dma_start3A_1021 : memref<1x1x128x32xf32, #tpu.memory_space<vmem>> -> memref<128x32xf32, #tpu.memory_space<vmem>>
      %dma_start3A_1023 = arith.constant 0 : i32
      %dma_start3A_1024 = tpu.memref_slice %arg5[%add3A_1016, %dma_start3A_1023] : memref<128x200xi32, #tpu.memory_space<vmem>> -> memref<1x128xi32, #tpu.memory_space<vmem>>
      %dma_start3A_1025 = tpu.memref_squeeze %dma_start3A_1024 : memref<1x128xi32, #tpu.memory_space<vmem>> -> memref<128xi32, #tpu.memory_space<vmem>>
      %dma_start3A_1026 = arith.constant 0 : i32
      %dma_start3A_1027 = arith.constant 0 : i32
      %dma_start3A_1028 = tpu.memref_slice %arg3[%dma_start3A_1026, %dma_start3A_1027] : memref<1000000x32xf32, #tpu.memory_space<hbm>> -> memref<1000000x32xf32, #tpu.memory_space<hbm>>
      tpu.enqueue_indirect_dma source(%dma_start3A_1028 : memref<1000000x32xf32, #tpu.memory_space<hbm>>) target(%dma_start3A_1022 : memref<128x32xf32, #tpu.memory_space<vmem>>) offsets(%dma_start3A_1025 : memref<128xi32, #tpu.memory_space<vmem>>) semaphore(%arg8 : memref<!tpu.dma_semaphore, #tpu.memory_space<semaphore_mem>>)
      %add3A_1029 = arith.constant 3 : i32
      %add3A_1030 = arith.addi %multiple_of3A_930, %add3A_1029 : i32
      %dma_start3A_1031 = arith.constant 1 : i32
      %dma_start3A_1032 = arith.constant 3 : i32
      %dma_start3A_1033 = arith.constant 128 : i32
      %dma_start3A_1034 = arith.constant 0 : i32
      %dma_start3A_1035 = tpu.memref_slice %arg6[%dma_start3A_1031, %dma_start3A_1032, %dma_start3A_1033, %dma_start3A_1034] : memref<2x8x200x32xf32, #tpu.memory_space<vmem>> -> memref<1x1x72x32xf32, #tpu.memory_space<vmem>>
      %dma_start3A_1036 = tpu.memref_squeeze %dma_start3A_1035 : memref<1x1x72x32xf32, #tpu.memory_space<vmem>> -> memref<72x32xf32, #tpu.memory_space<vmem>>
      %dma_start3A_1037 = arith.constant 128 : i32
      %dma_start3A_1038 = tpu.memref_slice %arg5[%add3A_1030, %dma_start3A_1037] : memref<128x200xi32, #tpu.memory_space<vmem>> -> memref<1x72xi32, #tpu.memory_space<vmem>>
      %dma_start3A_1039 = tpu.memref_squeeze %dma_start3A_1038 : memref<1x72xi32, #tpu.memory_space<vmem>> -> memref<72xi32, #tpu.memory_space<vmem>>
      %dma_start3A_1040 = arith.constant 0 : i32
      %dma_start3A_1041 = arith.constant 0 : i32
      %dma_start3A_1042 = tpu.memref_slice %arg3[%dma_start3A_1040, %dma_start3A_1041] : memref<1000000x32xf32, #tpu.memory_space<hbm>> -> memref<1000000x32xf32, #tpu.memory_space<hbm>>
      tpu.enqueue_indirect_dma source(%dma_start3A_1042 : memref<1000000x32xf32, #tpu.memory_space<hbm>>) target(%dma_start3A_1036 : memref<72x32xf32, #tpu.memory_space<vmem>>) offsets(%dma_start3A_1039 : memref<72xi32, #tpu.memory_space<vmem>>) semaphore(%arg8 : memref<!tpu.dma_semaphore, #tpu.memory_space<semaphore_mem>>)
      %add3A_1043 = arith.constant 4 : i32
      %add3A_1044 = arith.addi %multiple_of3A_930, %add3A_1043 : i32
      %dma_start3A_1045 = arith.constant 1 : i32
      %dma_start3A_1046 = arith.constant 4 : i32
      %dma_start3A_1047 = arith.constant 0 : i32
      %dma_start3A_1048 = arith.constant 0 : i32
      %dma_start3A_1049 = tpu.memref_slice %arg6[%dma_start3A_1045, %dma_start3A_1046, %dma_start3A_1047, %dma_start3A_1048] : memref<2x8x200x32xf32, #tpu.memory_space<vmem>> -> memref<1x1x128x32xf32, #tpu.memory_space<vmem>>
      %dma_start3A_1050 = tpu.memref_squeeze %dma_start3A_1049 : memref<1x1x128x32xf32, #tpu.memory_space<vmem>> -> memref<128x32xf32, #tpu.memory_space<vmem>>
      %dma_start3A_1051 = arith.constant 0 : i32
      %dma_start3A_1052 = tpu.memref_slice %arg5[%add3A_1044, %dma_start3A_1051] : memref<128x200xi32, #tpu.memory_space<vmem>> -> memref<1x128xi32, #tpu.memory_space<vmem>>
      %dma_start3A_1053 = tpu.memref_squeeze %dma_start3A_1052 : memref<1x128xi32, #tpu.memory_space<vmem>> -> memref<128xi32, #tpu.memory_space<vmem>>
      %dma_start3A_1054 = arith.constant 0 : i32
      %dma_start3A_1055 = arith.constant 0 : i32
      %dma_start3A_1056 = tpu.memref_slice %arg3[%dma_start3A_1054, %dma_start3A_1055] : memref<1000000x32xf32, #tpu.memory_space<hbm>> -> memref<1000000x32xf32, #tpu.memory_space<hbm>>
      tpu.enqueue_indirect_dma source(%dma_start3A_1056 : memref<1000000x32xf32, #tpu.memory_space<hbm>>) target(%dma_start3A_1050 : memref<128x32xf32, #tpu.memory_space<vmem>>) offsets(%dma_start3A_1053 : memref<128xi32, #tpu.memory_space<vmem>>) semaphore(%arg8 : memref<!tpu.dma_semaphore, #tpu.memory_space<semaphore_mem>>)
      %add3A_1057 = arith.constant 4 : i32
      %add3A_1058 = arith.addi %multiple_of3A_930, %add3A_1057 : i32
      %dma_start3A_1059 = arith.constant 1 : i32
      %dma_start3A_1060 = arith.constant 4 : i32
      %dma_start3A_1061 = arith.constant 128 : i32
      %dma_start3A_1062 = arith.constant 0 : i32
      %dma_start3A_1063 = tpu.memref_slice %arg6[%dma_start3A_1059, %dma_start3A_1060, %dma_start3A_1061, %dma_start3A_1062] : memref<2x8x200x32xf32, #tpu.memory_space<vmem>> -> memref<1x1x72x32xf32, #tpu.memory_space<vmem>>
      %dma_start3A_1064 = tpu.memref_squeeze %dma_start3A_1063 : memref<1x1x72x32xf32, #tpu.memory_space<vmem>> -> memref<72x32xf32, #tpu.memory_space<vmem>>
      %dma_start3A_1065 = arith.constant 128 : i32
      %dma_start3A_1066 = tpu.memref_slice %arg5[%add3A_1058, %dma_start3A_1065] : memref<128x200xi32, #tpu.memory_space<vmem>> -> memref<1x72xi32, #tpu.memory_space<vmem>>
      %dma_start3A_1067 = tpu.memref_squeeze %dma_start3A_1066 : memref<1x72xi32, #tpu.memory_space<vmem>> -> memref<72xi32, #tpu.memory_space<vmem>>
      %dma_start3A_1068 = arith.constant 0 : i32
      %dma_start3A_1069 = arith.constant 0 : i32
      %dma_start3A_1070 = tpu.memref_slice %arg3[%dma_start3A_1068, %dma_start3A_1069] : memref<1000000x32xf32, #tpu.memory_space<hbm>> -> memref<1000000x32xf32, #tpu.memory_space<hbm>>
      tpu.enqueue_indirect_dma source(%dma_start3A_1070 : memref<1000000x32xf32, #tpu.memory_space<hbm>>) target(%dma_start3A_1064 : memref<72x32xf32, #tpu.memory_space<vmem>>) offsets(%dma_start3A_1067 : memref<72xi32, #tpu.memory_space<vmem>>) semaphore(%arg8 : memref<!tpu.dma_semaphore, #tpu.memory_space<semaphore_mem>>)
      %add3A_1071 = arith.constant 5 : i32
      %add3A_1072 = arith.addi %multiple_of3A_930, %add3A_1071 : i32
      %dma_start3A_1073 = arith.constant 1 : i32
      %dma_start3A_1074 = arith.constant 5 : i32
      %dma_start3A_1075 = arith.constant 0 : i32
      %dma_start3A_1076 = arith.constant 0 : i32
      %dma_start3A_1077 = tpu.memref_slice %arg6[%dma_start3A_1073, %dma_start3A_1074, %dma_start3A_1075, %dma_start3A_1076] : memref<2x8x200x32xf32, #tpu.memory_space<vmem>> -> memref<1x1x128x32xf32, #tpu.memory_space<vmem>>
      %dma_start3A_1078 = tpu.memref_squeeze %dma_start3A_1077 : memref<1x1x128x32xf32, #tpu.memory_space<vmem>> -> memref<128x32xf32, #tpu.memory_space<vmem>>
      %dma_start3A_1079 = arith.constant 0 : i32
      %dma_start3A_1080 = tpu.memref_slice %arg5[%add3A_1072, %dma_start3A_1079] : memref<128x200xi32, #tpu.memory_space<vmem>> -> memref<1x128xi32, #tpu.memory_space<vmem>>
      %dma_start3A_1081 = tpu.memref_squeeze %dma_start3A_1080 : memref<1x128xi32, #tpu.memory_space<vmem>> -> memref<128xi32, #tpu.memory_space<vmem>>
      %dma_start3A_1082 = arith.constant 0 : i32
      %dma_start3A_1083 = arith.constant 0 : i32
      %dma_start3A_1084 = tpu.memref_slice %arg3[%dma_start3A_1082, %dma_start3A_1083] : memref<1000000x32xf32, #tpu.memory_space<hbm>> -> memref<1000000x32xf32, #tpu.memory_space<hbm>>
      tpu.enqueue_indirect_dma source(%dma_start3A_1084 : memref<1000000x32xf32, #tpu.memory_space<hbm>>) target(%dma_start3A_1078 : memref<128x32xf32, #tpu.memory_space<vmem>>) offsets(%dma_start3A_1081 : memref<128xi32, #tpu.memory_space<vmem>>) semaphore(%arg8 : memref<!tpu.dma_semaphore, #tpu.memory_space<semaphore_mem>>)
      %add3A_1085 = arith.constant 5 : i32
      %add3A_1086 = arith.addi %multiple_of3A_930, %add3A_1085 : i32
      %dma_start3A_1087 = arith.constant 1 : i32
      %dma_start3A_1088 = arith.constant 5 : i32
      %dma_start3A_1089 = arith.constant 128 : i32
      %dma_start3A_1090 = arith.constant 0 : i32
      %dma_start3A_1091 = tpu.memref_slice %arg6[%dma_start3A_1087, %dma_start3A_1088, %dma_start3A_1089, %dma_start3A_1090] : memref<2x8x200x32xf32, #tpu.memory_space<vmem>> -> memref<1x1x72x32xf32, #tpu.memory_space<vmem>>
      %dma_start3A_1092 = tpu.memref_squeeze %dma_start3A_1091 : memref<1x1x72x32xf32, #tpu.memory_space<vmem>> -> memref<72x32xf32, #tpu.memory_space<vmem>>
      %dma_start3A_1093 = arith.constant 128 : i32
      %dma_start3A_1094 = tpu.memref_slice %arg5[%add3A_1086, %dma_start3A_1093] : memref<128x200xi32, #tpu.memory_space<vmem>> -> memref<1x72xi32, #tpu.memory_space<vmem>>
      %dma_start3A_1095 = tpu.memref_squeeze %dma_start3A_1094 : memref<1x72xi32, #tpu.memory_space<vmem>> -> memref<72xi32, #tpu.memory_space<vmem>>
      %dma_start3A_1096 = arith.constant 0 : i32
      %dma_start3A_1097 = arith.constant 0 : i32
      %dma_start3A_1098 = tpu.memref_slice %arg3[%dma_start3A_1096, %dma_start3A_1097] : memref<1000000x32xf32, #tpu.memory_space<hbm>> -> memref<1000000x32xf32, #tpu.memory_space<hbm>>
      tpu.enqueue_indirect_dma source(%dma_start3A_1098 : memref<1000000x32xf32, #tpu.memory_space<hbm>>) target(%dma_start3A_1092 : memref<72x32xf32, #tpu.memory_space<vmem>>) offsets(%dma_start3A_1095 : memref<72xi32, #tpu.memory_space<vmem>>) semaphore(%arg8 : memref<!tpu.dma_semaphore, #tpu.memory_space<semaphore_mem>>)
      %add3A_1099 = arith.constant 6 : i32
      %add3A_1100 = arith.addi %multiple_of3A_930, %add3A_1099 : i32
      %dma_start3A_1101 = arith.constant 1 : i32
      %dma_start3A_1102 = arith.constant 6 : i32
      %dma_start3A_1103 = arith.constant 0 : i32
      %dma_start3A_1104 = arith.constant 0 : i32
      %dma_start3A_1105 = tpu.memref_slice %arg6[%dma_start3A_1101, %dma_start3A_1102, %dma_start3A_1103, %dma_start3A_1104] : memref<2x8x200x32xf32, #tpu.memory_space<vmem>> -> memref<1x1x128x32xf32, #tpu.memory_space<vmem>>
      %dma_start3A_1106 = tpu.memref_squeeze %dma_start3A_1105 : memref<1x1x128x32xf32, #tpu.memory_space<vmem>> -> memref<128x32xf32, #tpu.memory_space<vmem>>
      %dma_start3A_1107 = arith.constant 0 : i32
      %dma_start3A_1108 = tpu.memref_slice %arg5[%add3A_1100, %dma_start3A_1107] : memref<128x200xi32, #tpu.memory_space<vmem>> -> memref<1x128xi32, #tpu.memory_space<vmem>>
      %dma_start3A_1109 = tpu.memref_squeeze %dma_start3A_1108 : memref<1x128xi32, #tpu.memory_space<vmem>> -> memref<128xi32, #tpu.memory_space<vmem>>
      %dma_start3A_1110 = arith.constant 0 : i32
      %dma_start3A_1111 = arith.constant 0 : i32
      %dma_start3A_1112 = tpu.memref_slice %arg3[%dma_start3A_1110, %dma_start3A_1111] : memref<1000000x32xf32, #tpu.memory_space<hbm>> -> memref<1000000x32xf32, #tpu.memory_space<hbm>>
      tpu.enqueue_indirect_dma source(%dma_start3A_1112 : memref<1000000x32xf32, #tpu.memory_space<hbm>>) target(%dma_start3A_1106 : memref<128x32xf32, #tpu.memory_space<vmem>>) offsets(%dma_start3A_1109 : memref<128xi32, #tpu.memory_space<vmem>>) semaphore(%arg8 : memref<!tpu.dma_semaphore, #tpu.memory_space<semaphore_mem>>)
      %add3A_1113 = arith.constant 6 : i32
      %add3A_1114 = arith.addi %multiple_of3A_930, %add3A_1113 : i32
      %dma_start3A_1115 = arith.constant 1 : i32
      %dma_start3A_1116 = arith.constant 6 : i32
      %dma_start3A_1117 = arith.constant 128 : i32
      %dma_start3A_1118 = arith.constant 0 : i32
      %dma_start3A_1119 = tpu.memref_slice %arg6[%dma_start3A_1115, %dma_start3A_1116, %dma_start3A_1117, %dma_start3A_1118] : memref<2x8x200x32xf32, #tpu.memory_space<vmem>> -> memref<1x1x72x32xf32, #tpu.memory_space<vmem>>
      %dma_start3A_1120 = tpu.memref_squeeze %dma_start3A_1119 : memref<1x1x72x32xf32, #tpu.memory_space<vmem>> -> memref<72x32xf32, #tpu.memory_space<vmem>>
      %dma_start3A_1121 = arith.constant 128 : i32
      %dma_start3A_1122 = tpu.memref_slice %arg5[%add3A_1114, %dma_start3A_1121] : memref<128x200xi32, #tpu.memory_space<vmem>> -> memref<1x72xi32, #tpu.memory_space<vmem>>
      %dma_start3A_1123 = tpu.memref_squeeze %dma_start3A_1122 : memref<1x72xi32, #tpu.memory_space<vmem>> -> memref<72xi32, #tpu.memory_space<vmem>>
      %dma_start3A_1124 = arith.constant 0 : i32
      %dma_start3A_1125 = arith.constant 0 : i32
      %dma_start3A_1126 = tpu.memref_slice %arg3[%dma_start3A_1124, %dma_start3A_1125] : memref<1000000x32xf32, #tpu.memory_space<hbm>> -> memref<1000000x32xf32, #tpu.memory_space<hbm>>
      tpu.enqueue_indirect_dma source(%dma_start3A_1126 : memref<1000000x32xf32, #tpu.memory_space<hbm>>) target(%dma_start3A_1120 : memref<72x32xf32, #tpu.memory_space<vmem>>) offsets(%dma_start3A_1123 : memref<72xi32, #tpu.memory_space<vmem>>) semaphore(%arg8 : memref<!tpu.dma_semaphore, #tpu.memory_space<semaphore_mem>>)
      %add3A_1127 = arith.constant 7 : i32
      %add3A_1128 = arith.addi %multiple_of3A_930, %add3A_1127 : i32
      %dma_start3A_1129 = arith.constant 1 : i32
      %dma_start3A_1130 = arith.constant 7 : i32
      %dma_start3A_1131 = arith.constant 0 : i32
      %dma_start3A_1132 = arith.constant 0 : i32
      %dma_start3A_1133 = tpu.memref_slice %arg6[%dma_start3A_1129, %dma_start3A_1130, %dma_start3A_1131, %dma_start3A_1132] : memref<2x8x200x32xf32, #tpu.memory_space<vmem>> -> memref<1x1x128x32xf32, #tpu.memory_space<vmem>>
      %dma_start3A_1134 = tpu.memref_squeeze %dma_start3A_1133 : memref<1x1x128x32xf32, #tpu.memory_space<vmem>> -> memref<128x32xf32, #tpu.memory_space<vmem>>
      %dma_start3A_1135 = arith.constant 0 : i32
      %dma_start3A_1136 = tpu.memref_slice %arg5[%add3A_1128, %dma_start3A_1135] : memref<128x200xi32, #tpu.memory_space<vmem>> -> memref<1x128xi32, #tpu.memory_space<vmem>>
      %dma_start3A_1137 = tpu.memref_squeeze %dma_start3A_1136 : memref<1x128xi32, #tpu.memory_space<vmem>> -> memref<128xi32, #tpu.memory_space<vmem>>
      %dma_start3A_1138 = arith.constant 0 : i32
      %dma_start3A_1139 = arith.constant 0 : i32
      %dma_start3A_1140 = tpu.memref_slice %arg3[%dma_start3A_1138, %dma_start3A_1139] : memref<1000000x32xf32, #tpu.memory_space<hbm>> -> memref<1000000x32xf32, #tpu.memory_space<hbm>>
      tpu.enqueue_indirect_dma source(%dma_start3A_1140 : memref<1000000x32xf32, #tpu.memory_space<hbm>>) target(%dma_start3A_1134 : memref<128x32xf32, #tpu.memory_space<vmem>>) offsets(%dma_start3A_1137 : memref<128xi32, #tpu.memory_space<vmem>>) semaphore(%arg8 : memref<!tpu.dma_semaphore, #tpu.memory_space<semaphore_mem>>)
      %add3A_1141 = arith.constant 7 : i32
      %add3A_1142 = arith.addi %multiple_of3A_930, %add3A_1141 : i32
      %dma_start3A_1143 = arith.constant 1 : i32
      %dma_start3A_1144 = arith.constant 7 : i32
      %dma_start3A_1145 = arith.constant 128 : i32
      %dma_start3A_1146 = arith.constant 0 : i32
      %dma_start3A_1147 = tpu.memref_slice %arg6[%dma_start3A_1143, %dma_start3A_1144, %dma_start3A_1145, %dma_start3A_1146] : memref<2x8x200x32xf32, #tpu.memory_space<vmem>> -> memref<1x1x72x32xf32, #tpu.memory_space<vmem>>
      %dma_start3A_1148 = tpu.memref_squeeze %dma_start3A_1147 : memref<1x1x72x32xf32, #tpu.memory_space<vmem>> -> memref<72x32xf32, #tpu.memory_space<vmem>>
      %dma_start3A_1149 = arith.constant 128 : i32
      %dma_start3A_1150 = tpu.memref_slice %arg5[%add3A_1142, %dma_start3A_1149] : memref<128x200xi32, #tpu.memory_space<vmem>> -> memref<1x72xi32, #tpu.memory_space<vmem>>
      %dma_start3A_1151 = tpu.memref_squeeze %dma_start3A_1150 : memref<1x72xi32, #tpu.memory_space<vmem>> -> memref<72xi32, #tpu.memory_space<vmem>>
      %dma_start3A_1152 = arith.constant 0 : i32
      %dma_start3A_1153 = arith.constant 0 : i32
      %dma_start3A_1154 = tpu.memref_slice %arg3[%dma_start3A_1152, %dma_start3A_1153] : memref<1000000x32xf32, #tpu.memory_space<hbm>> -> memref<1000000x32xf32, #tpu.memory_space<hbm>>
      tpu.enqueue_indirect_dma source(%dma_start3A_1154 : memref<1000000x32xf32, #tpu.memory_space<hbm>>) target(%dma_start3A_1148 : memref<72x32xf32, #tpu.memory_space<vmem>>) offsets(%dma_start3A_1151 : memref<72xi32, #tpu.memory_space<vmem>>) semaphore(%arg8 : memref<!tpu.dma_semaphore, #tpu.memory_space<semaphore_mem>>)
    }
    %scan3A_494 = arith.constant 7 : i32
    %dma_wait3A_495 = arith.constant 1 : i32
    %dma_wait3A_496 = arith.constant 0 : i32
    %dma_wait3A_497 = arith.constant 0 : i32
    %dma_wait3A_498 = arith.constant 0 : i32
    %dma_wait3A_499 = tpu.memref_slice %arg6[%dma_wait3A_495, %dma_wait3A_496, %dma_wait3A_497, %dma_wait3A_498] : memref<2x8x200x32xf32, #tpu.memory_space<vmem>> -> memref<1x8x200x32xf32, #tpu.memory_space<vmem>>
    %dma_wait3A_500 = tpu.memref_squeeze %dma_wait3A_499 : memref<1x8x200x32xf32, #tpu.memory_space<vmem>> -> memref<8x200x32xf32, #tpu.memory_space<vmem>>
    %dma_wait3A_501 = arith.constant 0 : i32
    %dma_wait3A_502 = arith.constant 0 : i32
    %dma_wait3A_503 = arith.constant 0 : i32
    %dma_wait3A_504 = tpu.memref_slice %arg4[%dma_wait3A_501, %dma_wait3A_502, %dma_wait3A_503] : memref<4096x200x32xf32, #tpu.memory_space<hbm>> -> memref<8x200x32xf32, #tpu.memory_space<hbm>>
    %dma_wait3A_505 = arith.constant 0 : i32
    %dma_wait3A_506 = arith.constant 0 : i32
    %dma_wait3A_507 = arith.constant 0 : i32
    %dma_wait3A_508 = tpu.memref_slice %arg6[%dma_wait3A_495, %dma_wait3A_505, %dma_wait3A_506, %dma_wait3A_507] : memref<2x8x200x32xf32, #tpu.memory_space<vmem>> -> memref<1x8x200x32xf32, #tpu.memory_space<vmem>>
    %dma_wait3A_509 = tpu.memref_squeeze %dma_wait3A_508 : memref<1x8x200x32xf32, #tpu.memory_space<vmem>> -> memref<8x200x32xf32, #tpu.memory_space<vmem>>
    %dma_wait3A_510 = arith.constant 0 : i32
    %dma_wait3A_511 = arith.constant 0 : i32
    %dma_wait3A_512 = arith.constant 0 : i32
    %dma_wait3A_513 = tpu.memref_slice %arg4[%dma_wait3A_510, %dma_wait3A_511, %dma_wait3A_512] : memref<4096x200x32xf32, #tpu.memory_space<hbm>> -> memref<8x200x32xf32, #tpu.memory_space<hbm>>
    tpu.wait_dma2 semaphore(%arg8 : memref<!tpu.dma_semaphore, #tpu.memory_space<semaphore_mem>>) src(%dma_wait3A_513 : memref<8x200x32xf32, #tpu.memory_space<hbm>>) dst(%dma_wait3A_509 : memref<8x200x32xf32, #tpu.memory_space<vmem>>)
    %add3A_514 = arith.constant 120 : i32
    %add3A_515 = arith.addi %mul3A_2, %add3A_514 : i32
    %multiple_of3A_516 = tpu.assume_multiple %add3A_515, 8 : i32
    %dma_start3A_517 = arith.constant 1 : i32
    %dma_start3A_518 = arith.constant 0 : i32
    %dma_start3A_519 = arith.constant 0 : i32
    %dma_start3A_520 = arith.constant 0 : i32
    %dma_start3A_521 = tpu.memref_slice %arg6[%dma_start3A_517, %dma_start3A_518, %dma_start3A_519, %dma_start3A_520] : memref<2x8x200x32xf32, #tpu.memory_space<vmem>> -> memref<1x8x200x32xf32, #tpu.memory_space<vmem>>
    %dma_start3A_522 = tpu.memref_squeeze %dma_start3A_521 : memref<1x8x200x32xf32, #tpu.memory_space<vmem>> -> memref<8x200x32xf32, #tpu.memory_space<vmem>>
    %dma_start3A_523 = arith.constant 0 : i32
    %dma_start3A_524 = arith.constant 0 : i32
    %dma_start3A_525 = tpu.memref_slice %arg4[%multiple_of3A_516, %dma_start3A_523, %dma_start3A_524] : memref<4096x200x32xf32, #tpu.memory_space<hbm>> -> memref<8x200x32xf32, #tpu.memory_space<hbm>>
    %dma_start3A_526 = arith.constant 0 : i32
    %dma_start3A_527 = arith.constant 0 : i32
    %dma_start3A_528 = tpu.memref_slice %arg4[%multiple_of3A_516, %dma_start3A_526, %dma_start3A_527] : memref<4096x200x32xf32, #tpu.memory_space<hbm>> -> memref<8x200x32xf32, #tpu.memory_space<hbm>>
    %dma_start3A_529 = arith.constant 0 : i32
    %dma_start3A_530 = arith.constant 0 : i32
    %dma_start3A_531 = arith.constant 0 : i32
    %dma_start3A_532 = tpu.memref_slice %arg6[%dma_start3A_517, %dma_start3A_529, %dma_start3A_530, %dma_start3A_531] : memref<2x8x200x32xf32, #tpu.memory_space<vmem>> -> memref<1x8x200x32xf32, #tpu.memory_space<vmem>>
    %dma_start3A_533 = tpu.memref_squeeze %dma_start3A_532 : memref<1x8x200x32xf32, #tpu.memory_space<vmem>> -> memref<8x200x32xf32, #tpu.memory_space<vmem>>
    tpu.enqueue_dma source(%dma_start3A_533 : memref<8x200x32xf32, #tpu.memory_space<vmem>>) target(%dma_start3A_528 : memref<8x200x32xf32, #tpu.memory_space<hbm>>) target_semaphore(%arg10 : memref<!tpu.dma_semaphore, #tpu.memory_space<semaphore_mem>>)
    %dma_wait3A_534 = arith.constant 0 : i32
    %dma_wait3A_535 = arith.constant 0 : i32
    %dma_wait3A_536 = arith.constant 0 : i32
    %dma_wait3A_537 = arith.constant 0 : i32
    %dma_wait3A_538 = tpu.memref_slice %arg6[%dma_wait3A_534, %dma_wait3A_535, %dma_wait3A_536, %dma_wait3A_537] : memref<2x8x200x32xf32, #tpu.memory_space<vmem>> -> memref<1x8x200x32xf32, #tpu.memory_space<vmem>>
    %dma_wait3A_539 = tpu.memref_squeeze %dma_wait3A_538 : memref<1x8x200x32xf32, #tpu.memory_space<vmem>> -> memref<8x200x32xf32, #tpu.memory_space<vmem>>
    %dma_wait3A_540 = arith.constant 0 : i32
    %dma_wait3A_541 = arith.constant 0 : i32
    %dma_wait3A_542 = arith.constant 0 : i32
    %dma_wait3A_543 = tpu.memref_slice %arg4[%dma_wait3A_540, %dma_wait3A_541, %dma_wait3A_542] : memref<4096x200x32xf32, #tpu.memory_space<hbm>> -> memref<8x200x32xf32, #tpu.memory_space<hbm>>
    %dma_wait3A_544 = arith.constant 0 : i32
    %dma_wait3A_545 = arith.constant 0 : i32
    %dma_wait3A_546 = arith.constant 0 : i32
    %dma_wait3A_547 = tpu.memref_slice %arg4[%dma_wait3A_544, %dma_wait3A_545, %dma_wait3A_546] : memref<4096x200x32xf32, #tpu.memory_space<hbm>> -> memref<8x200x32xf32, #tpu.memory_space<hbm>>
    %dma_wait3A_548 = arith.constant 0 : i32
    %dma_wait3A_549 = arith.constant 0 : i32
    %dma_wait3A_550 = arith.constant 0 : i32
    %dma_wait3A_551 = tpu.memref_slice %arg6[%dma_wait3A_534, %dma_wait3A_548, %dma_wait3A_549, %dma_wait3A_550] : memref<2x8x200x32xf32, #tpu.memory_space<vmem>> -> memref<1x8x200x32xf32, #tpu.memory_space<vmem>>
    %dma_wait3A_552 = tpu.memref_squeeze %dma_wait3A_551 : memref<1x8x200x32xf32, #tpu.memory_space<vmem>> -> memref<8x200x32xf32, #tpu.memory_space<vmem>>
    tpu.wait_dma2 semaphore(%arg9 : memref<!tpu.dma_semaphore, #tpu.memory_space<semaphore_mem>>) src(%dma_wait3A_552 : memref<8x200x32xf32, #tpu.memory_space<vmem>>) dst(%dma_wait3A_547 : memref<8x200x32xf32, #tpu.memory_space<hbm>>)
    %dma_wait3A_553 = arith.constant 1 : i32
    %dma_wait3A_554 = arith.constant 0 : i32
    %dma_wait3A_555 = arith.constant 0 : i32
    %dma_wait3A_556 = arith.constant 0 : i32
    %dma_wait3A_557 = tpu.memref_slice %arg6[%dma_wait3A_553, %dma_wait3A_554, %dma_wait3A_555, %dma_wait3A_556] : memref<2x8x200x32xf32, #tpu.memory_space<vmem>> -> memref<1x8x200x32xf32, #tpu.memory_space<vmem>>
    %dma_wait3A_558 = tpu.memref_squeeze %dma_wait3A_557 : memref<1x8x200x32xf32, #tpu.memory_space<vmem>> -> memref<8x200x32xf32, #tpu.memory_space<vmem>>
    %dma_wait3A_559 = arith.constant 0 : i32
    %dma_wait3A_560 = arith.constant 0 : i32
    %dma_wait3A_561 = arith.constant 0 : i32
    %dma_wait3A_562 = tpu.memref_slice %arg4[%dma_wait3A_559, %dma_wait3A_560, %dma_wait3A_561] : memref<4096x200x32xf32, #tpu.memory_space<hbm>> -> memref<8x200x32xf32, #tpu.memory_space<hbm>>
    %dma_wait3A_563 = arith.constant 0 : i32
    %dma_wait3A_564 = arith.constant 0 : i32
    %dma_wait3A_565 = arith.constant 0 : i32
    %dma_wait3A_566 = tpu.memref_slice %arg4[%dma_wait3A_563, %dma_wait3A_564, %dma_wait3A_565] : memref<4096x200x32xf32, #tpu.memory_space<hbm>> -> memref<8x200x32xf32, #tpu.memory_space<hbm>>
    %dma_wait3A_567 = arith.constant 0 : i32
    %dma_wait3A_568 = arith.constant 0 : i32
    %dma_wait3A_569 = arith.constant 0 : i32
    %dma_wait3A_570 = tpu.memref_slice %arg6[%dma_wait3A_553, %dma_wait3A_567, %dma_wait3A_568, %dma_wait3A_569] : memref<2x8x200x32xf32, #tpu.memory_space<vmem>> -> memref<1x8x200x32xf32, #tpu.memory_space<vmem>>
    %dma_wait3A_571 = tpu.memref_squeeze %dma_wait3A_570 : memref<1x8x200x32xf32, #tpu.memory_space<vmem>> -> memref<8x200x32xf32, #tpu.memory_space<vmem>>
    tpu.wait_dma2 semaphore(%arg10 : memref<!tpu.dma_semaphore, #tpu.memory_space<semaphore_mem>>) src(%dma_wait3A_571 : memref<8x200x32xf32, #tpu.memory_space<vmem>>) dst(%dma_wait3A_566 : memref<8x200x32xf32, #tpu.memory_space<hbm>>)
    return
  }
}

</mosaic_0001>

<sc_bundles>
// kernel: kernel.3.cloned.1.call-start
scs
__scs_entry_jumppad:
0x0: {  	(pc) =	sbr.rel $0x88, $3  }
0x1: {  	(tag) =	ssettag $0x0;
	lr =	simm.s32 $0x1  }
0x2: {  	[smem:$0x3F9F] =	sst lr;
	_ =	strace $0xD0000000  }
0x3: {  	_ = 	snop  }
0x4: {  	_ = 	snop  }
0x5: {  	_ = 	snop  }
0x6: {  	_ = 	snop  }
0x7: {  	_ = 	snop  }
__scs_overlays_trampoline_lowered:
0x8: {  	[smem:$0x3FAE] =	sst s0  }
0x9: {  	[smem:$0x3FAF] =	sst s1  }
0xa: {  	[smem:$0x3FB0] =	sst s2  }
0xb: {  	[smem:$0x3FB1] =	sst s3  }
0xc: {  	[smem:$0x3FB2] =	sst s4  }
0xd: {  	[smem:$0x3FB3] =	sst s5  }
0xe: {  	[smem:$0x3FB4] =	sst s6  }
0xf: {  	[smem:$0x3FB5] =	sst s7  }
0x10: {  	[smem:$0x3FB6] =	sst s8  }
0x11: {  	[smem:$0x3FB7] =	sst s9;
	s0 =	simm.s32 @!p0 $0x0  }
0x12: {  	s1 =	sld [smem:$0x3F9D];
	s0 =	simm.s32 @p0 $0x1  }
0x13: {  	[smem:$0x3FB8] =	sst s0;
	s0 =	simm.s32 @!p1 $0x0  }
0x14: {  	s2 =	sld [smem:$0x3F9C];
	s0 =	simm.s32 @p1 $0x1  }
0x15: {  	[smem:$0x3FB9] =	sst s0;
	s0 =	simm.s32 @!p2 $0x0  }
0x16: {  	s3 =	sld [smem:$0x3FDB];
	s0 =	simm.s32 @p2 $0x1  }
0x17: {  	s4 =	simm.s32 $0x1BF5;
	[smem:$0x3FBB] =	sst s0  }
0x18: {  	s0 =	sld [smem:$0x3F9E];
	_ =	swait.ge [sflag:s4], $0x0  }
0x19: {  	s7 =	sld [smem:$0x3F9F]  }
0x1a: {  	s8 =	sadd.s32 $0xFFFFE003, lr  }
0x1b: {  	s9 =	sadd.s32 $0xFFFFFEF7, lr;
	s5 =	simm.s32 $0xFFFFFFFF;
	p2 =	slt.u32 s8, $0xFFFFF086  }
0x1c: {  	p1 =	slt.u32 s9, $0xF7A;
	s5 =	simm.s32 @!p2 $0x0  }
0x1d: {  	s5 =	simm.s32 @p1 $0x1;
	p0 =	seq.s32 s7, s2  }
0x1e: {  	s7 =	smul.u32 @!p0 $0xF7A, s2;
	p2 =	seq.s32 @!p0 s5, $0x0  }
0x1f: {  	s9 =	smul.u32 $0xF7A, s1;
	s8 =	simm.s32 @!p0 $0x1BF5;
	p2 =	por !p2, p0  }
0x20: {  	[sflag:s8] =	ssyncset.s32 @!p0 $0xFFFFF086;
	s6 =	sadd.s32 @!p0 s3, s7;
	s7 =	simm.s32 @!p0 $0x108  }
0x21: {  	s3 =	sadd.s32 s3, s9;
	s6 =	sadd.s32 @!p0 $0x88, s6;
	s7 =	simm.s32 @p2 $0x1082  }
0x22: {  	[simem:s7], [sflag:s8] =	dma.local @!p0 [hbm:s6], $0xF7A  }
0x23: {  	s9 =	sor.u32 $0xD0000000, s2;
	s6 =	simm.s32 $0x108;
	_ =	swait.ge @!p0 [sflag:s8], $0x0  }
0x24: {  	s3 =	sadd.s32 $0x88, s3;
	s6 =	simm.s32 @!p1 $0x1082;
	[sflag:s4] =	ssyncset.s32 $0xFFFFF086  }
0x25: {  	[simem:s6], [sflag:s4] =	dma.local [hbm:s3], $0xF7A  }
0x26: {  	[smem:$0x3F9F] =	sst s1;
	(tag) =	ssettag s2;
	_ =	strace s9  }
0x27: {  	s1 =	sld [smem:$0x3FAF]  }
0x28: {  	s2 =	sld [smem:$0x3FB0]  }
0x29: {  	s4 =	sld [smem:$0x3FB2]  }
0x2a: {  	p0 =	seq.s32 s5, $0x0;
	s5 =	sld [smem:$0x3FB3]  }
0x2b: {  	s6 =	sld [smem:$0x3FB4]  }
0x2c: {  	s7 =	sld [smem:$0x3FB5]  }
0x2d: {  	s3 =	simm.s32 $0x108;
	s8 =	sld [smem:$0x3FB6]  }
0x2e: {  	s3 =	simm.s32 @!p0 $0x1082;
	s9 =	sld [smem:$0x3FB7]  }
0x2f: {  	lr =	sadd.s32 s0, s3;
	s0 =	sld [smem:$0x3FAE]  }
0x30: {  	s3 =	sld [smem:$0x3FB1]  }
0x31: {  	[smem:$0x3FBA] =	sst s10  }
0x32: {  	s10 =	sld [smem:$0x3FB8];
	_ =	sdelay $0x3  }
0x33: {  	p0 =	seq.s32 s10, $0x1;
	s10 =	sld [smem:$0x3FBA];
	_ =	sdelay $0x3  }
0x34: {  	[smem:$0x3FBA] =	sst s10  }
0x35: {  	s10 =	sld [smem:$0x3FB9];
	_ =	sdelay $0x3  }
0x36: {  	p1 =	seq.s32 s10, $0x1;
	s10 =	sld [smem:$0x3FBA];
	_ =	sdelay $0x3  }
0x37: {  	[smem:$0x3FBA] =	sst s10  }
0x38: {  	s10 =	sld [smem:$0x3FBB]  }
0x39: {  	_ = 	snop;
	(pc) =	sbr.ind lr, $3  }
0x3a: {  	_ = 	snop  }
0x3b: {  	_ = 	snop  }
0x3c: {  	p2 =	seq.s32 s10, $0x1;
	s10 =	sld [smem:$0x3FBA]  }
0x3d: {  	_ =	shalt  }
0x3e: {  	_ =	shalt  }
0x3f: {  	_ =	shalt  }
0x40: {  	_ =	shalt  }
0x41: {  	_ =	shalt  }
0x42: {  	_ =	shalt  }
0x43: {  	_ =	shalt  }
0x44: {  	_ =	shalt  }
0x45: {  	_ =	shalt  }
0x46: {  	_ =	shalt  }
0x47: {  	_ =	shalt  }
0x48: {  	_ =	shalt  }
0x49: {  	_ =	shalt  }
0x4a: {  	_ =	shalt  }
0x4b: {  	_ =	shalt  }
0x4c: {  	_ =	shalt  }
0x4d: {  	_ =	shalt  }
0x4e: {  	_ =	shalt  }
0x4f: {  	_ =	shalt  }
0x50: {  	_ =	shalt  }
0x51: {  	_ =	shalt  }
0x52: {  	_ =	shalt  }
0x53: {  	_ =	shalt  }
0x54: {  	_ =	shalt  }
0x55: {  	_ =	shalt  }
0x56: {  	_ =	shalt  }
0x57: {  	_ =	shalt  }
0x58: {  	_ =	shalt  }
0x59: {  	_ =	shalt  }
0x5a: {  	_ =	shalt  }
0x5b: {  	_ =	shalt  }
0x5c: {  	_ =	shalt  }
0x5d: {  	_ =	shalt  }
0x5e: {  	_ =	shalt  }
0x5f: {  	_ =	shalt  }
0x60: {  	_ =	shalt  }
0x61: {  	_ =	shalt  }
0x62: {  	_ =	shalt  }
0x63: {  	_ =	shalt  }
0x64: {  	_ =	shalt  }
0x65: {  	_ =	shalt  }
0x66: {  	_ =	shalt  }
0x67: {  	_ =	shalt  }
0x68: {  	_ =	shalt  }
0x69: {  	_ =	shalt  }
0x6a: {  	_ =	shalt  }
0x6b: {  	_ =	shalt  }
0x6c: {  	_ =	shalt  }
0x6d: {  	_ =	shalt  }
0x6e: {  	_ =	shalt  }
0x6f: {  	_ =	shalt  }
0x70: {  	_ =	shalt  }
0x71: {  	_ =	shalt  }
0x72: {  	_ =	shalt  }
0x73: {  	_ =	shalt  }
0x74: {  	_ =	shalt  }
0x75: {  	_ =	shalt  }
0x76: {  	_ =	shalt  }
0x77: {  	_ =	shalt  }
0x78: {  	_ =	shalt  }
0x79: {  	_ =	shalt  }
0x7a: {  	_ =	shalt  }
0x7b: {  	_ =	shalt  }
0x7c: {  	_ =	shalt  }
0x7d: {  	_ =	shalt  }
0x7e: {  	_ =	shalt  }
0x7f: {  	_ =	shalt  }
0x80: {  	_ =	shalt  }
0x81: {  	_ =	shalt  }
0x82: {  	_ =	shalt  }
0x83: {  	_ =	shalt  }
0x84: {  	_ =	shalt  }
0x85: {  	_ =	shalt  }
0x86: {  	_ =	shalt  }
0x87: {  	_ =	shalt  }
.Lfunc_end0:
.L_simem_size_0:
called_computation.1_lowered:
.L_overlay_start_0:
0x88: {  	s2 =	sld [smem:$0x3FD9]  }
0x89: {  	s3 =	sld [smem:$0x3FFE];
	_ =	sdelay $0x1  }
0x8a: {  	s1 =	srdreg.scid  }
0x8b: {  	s0 =	sand.u32 $0x1, s1  }
0x8c: {  	s17 =	sshll.u32 s0, $0xA;
	s2 =	sadd.s32 s3, s2  }
0x8d: {  	s2 =	sadd.s32 s2, s17  }
0x8e: {  	[smem:$0x3FC6] =	sst s2  }
0x8f: {  	_ = 	snop  }
0x90: {  	s2 =	sld [smem:$0x3FD0];
	(tm) =	ssettm $0x1  }
0x91: {  	s18 =	sld [smem:$0x3FFB];
	_ =	sdelay $0x3  }
0x92: {  	_ =	strace s18  }
0x93: {  	s3 =	sld [smem:$0x3FFC];
	_ =	sdelay $0x3  }
0x94: {  	_ =	strace s3  }
0x95: {  	s3 =	sld [smem:$0x3FFD];
	_ =	sdelay $0x3  }
0x96: {  	_ =	strace s3  }
0x97: {  	_ =	strace $0x8FFFFFFF  }
0x98: {  	s19 =	sld [smem:$0x3FDB];
	_ =	sdelay $0x1  }
0x99: {  	s4 =	simm.s32 $_scs_section_size  }
0x9a: {  	s5 =	simm.s32 $_size__tile_overlayer_lowered;
	s6 =	simm.s32 $_tile_overlayer_lowered  }
0x9b: {  	s22 =	simm.s32 $0x1BFF;
	s21 =	sshll.u32 s6, $0x1;
	s3 =	sadd.s32 s4, s19  }
0x9c: {  	s7 =	simm.s32 $0x0;
	s20 =	sshll.u32 s5, $0x1;
	s5 =	sadd.s32 s21, s3  }
0x9d: {  	[timem:s7], [sflag:s22] =	dma.local [hbm:s5], s20  }
0x9e: {  	_ =	swait.ge [sflag:s22], s20  }
0x9f: {  	s4 =	ssub.s32 $0x0, s20;
	[sflag:s22] =	ssyncset.done $0x0  }
0xa0: {  	[sflag:s22] =	ssyncadd.s32 s4;
	_ =	sdelay $0x1  }
0xa1: {  	s23 =	simm.s32 $0x1B8B  }
0xa2: {  	_ =	swait.ge [sflag:s23], $0x1  }
0xa3: {  	[sflag:s23] =	ssyncset.done $0x0  }
0xa4: {  	s25 =	simm.s32 $0x1B8E;
	s24 =	sld [smem:$0x3FFE];
	[sflag:s23] =	ssyncadd.s32 $0xFFFFFFFF  }
0xa5: {  	s26 =	simm.s32 $execute0_lowered;
	[smem:$0x3FD2] =	sst s25  }
0xa6: {  	s5 =	sshll.u32 s26, $0x1;
	_ =	strace $0x80000046;
	[dreg:$0x1] =	wrdreg $0xFFFFFFFF  }
0xa7: {  	s28 =	simm.s32 $_size_execute0_lowered;
	s3 =	sadd.s32 s3, s5;
	[dreg:$0x0] =	wrdreg $0x0  }
0xa8: {  	s5 =	sshll.u32 s28, $0x1;
	[dreg:$0x2] =	wrdreg s3  }
0xa9: {  	[dreg:$0x3] =	wrdreg s5  }
0xaa: {  	[dreg:$0x4] =	wrdreg $0xC0  }
0xab: {  	_ =	task [dreg:s7], $0x5FFFF  }
0xac: {  	[dreg:$0x1] =	wrdreg $0xFFFFFFFF  }
0xad: {  	[dreg:$0x0] =	wrdreg $0x60  }
0xae: {  	[dreg:$0x2] =	wrdreg s24  }
0xaf: {  	[dreg:$0x3] =	wrdreg s2  }
0xb0: {  	[dreg:$0x4] =	wrdreg $0x9  }
0xb1: {  	_ =	task.clear_ibuf [dreg:s7], $0x5FFFF;
	_ =	strace $0x90000046  }
0xb2: {  	s29 =	simm.s32 $0x9;
	_ =	strace $0x80000048  }
0xb3: {  	_ =	swait.ge [sflag:s29], $0x1  }
0xb4: {  	[sflag:s29] =	ssyncadd.s32 $0xFFFFFFFF  }
0xb5: {  	_ =	strace $0x90000048  }
0xb6: {  	_ =	sfence  }
0xb7: {  	s30 =	sld [smem:$0x0];
	_ =	sdelay $0x2  }
0xb8: {  	s31 =	sshll.u32 s1, $0xD;
	s1 =	sshrl.u32 s1, $0x2  }
0xb9: {  	s3 =	sand.u32 $0x4000, s31;
	s1 =	sadd.s32 s1, s30  }
0xba: {  	s0 =	sor.u32 s3, s0;
	s1 =	sshll.u32 s1, $0x11  }
0xbb: {  	s0 =	sor.u32 s1, s0  }
0xbc: {  	s0 =	sadd.s32 $0x8F2B, s0  }
0xbd: {  	[sflag:s0] =	ssyncadd.remote.s32 $0x1  }
0xbe: {  	_ =	sfence.sel $0xFFFF  }
0xbf: {  	[dreg:$0x0] =	wrdreg $0xFFFFFFFF;
	(pc) =	sbr.abs _section_cstart, $3  }
0xc0: {  	[dreg:$0x1] =	wrdreg $0xFFFFFFFF  }
0xc1: {  	_ =	task.clear_ibuf [dreg:s7], $0x2FFFF;
	_ =	strace $0x9FFFFFFF  }
0xc2: {  	(tm) =	ssettm $0x7FFFFFFF  }
0xc3: {  	_ =	shalt  }
tec
execute0_lowered:
.L_overlay_start_1:
0x0: {  	(tag) =	ssettag $0x1  }
0x1: {  	s0 =	srdreg.scid  }
0x2: {  	s1 =	rddreg [dreg:$0x0];
	s9 =	stileid.u32  }
0x3: {  	s4 =	rddreg [dreg:$0x1];
	s2 =	simm.s32 $0x0;
	s10 =	simm.s32 $0x6400  }
0x4: {  	s11 =	simm.s32 $0x48;
	s19 =	simm.s32 $0x7400;
	s21 =	simm.s32 $0x8D00  }
0x5: {  	s17 =	simm.s32 $0xAF00;
	s12 =	simm.s32 $0xFA00;
	s14 =	simm.s32 $0x10A00  }
0x6: {  	s16 =	simm.s32 $0x11300;
	s18 =	simm.s32 $0x12300;
	s30 =	simm.s32 $0x1  }
0x7: {  	s13 =	simm.s32 $0x12C00;
	s20 =	simm.s32 $0x13C00;
	s31 =	simm.s32 $0x15E00  }
0x8: {  	s15 =	simm.s32 $0x16E00;
	s29 =	simm.s32 $0x4;
	s28 =	simm.s32 $0x0  }
0x9: {  	s0 =	sand.u32 $0x1, s0;
	s3 =	sshll.u32 s9, $0x8;
	[smem:$0x7FF] =	sst s2  }
0xa: {  	s9 =	smul.u32 $0x32000, s9;
	s2 =	simm.s32 $0x15500;
	s5 =	sshll.u32 s0, $0x7  }
0xb: {  	s7 =	ssub.s32 $0x2, s0;
	s0 =	smul.u32 $0x19000, s0;
	s3 =	sor.u32 s5, s3  }
0xc: {  	_ =	strace $0x80000047;
	s22 =	sshrl.u32 s7, $0x1;
	s5 =	smul.u32 $0x19, s3  }
0xd: {  	s25 =	sadd.s32 s9, s4;
	s9 =	simm.s32 $0x80;
	s6 =	smul.u32 $0x320, s3  }
0xe: {  	s8 =	smul.u32 $0x1900, s3;
	s3 =	sadd.s32 $0xF42E00, s1;
	s0 =	sadd.s32 s0, s25  }
0xf: {  	s25 =	simm.s32 $0xA600;
	[dreg:$0x3] =	wrdreg s0;
	s5 =	sadd.s32 s5, s1  }
0x10: {  	s1 =	ssub.s32 s7, s22;
	s23 =	sshrl.u32 s8, $0x3;
	s7 =	simm.s32 $0xE100  }
0x11: {  	s8 =	simm.s32 $0xF100;
	s22 =	simm.s32 $0x14500;
	s5 =	sadd.s32 $0xA00, s5  }
0x12: {  	s24 =	sadd.s32 s4, s23;
	s4 =	sadd.s32 s4, s6;
	[dreg:$0x4] =	wrdreg s5  }
0x13: {  	s1 =	smax.u32 s1, $0x1;
	s23 =	simm.s32 $0x7D00;
	[dreg:$0x5] =	wrdreg s4  }
0x14: {  	s6 =	simm.s32 $0xD800;
	s26 =	sadd.s32 $0x17700, s24;
	[dreg:$0x7] =	wrdreg s1  }
0x15: {  	s1 =	simm.s32 $0x9600;
	s4 =	simm.s32 $0xBF00;
	s5 =	simm.s32 $0xC800  }
0x16: {  	s24 =	simm.s32 $0x2;
	[dreg:$0x6] =	wrdreg s26;
	s26 =	simm.s32 $0x3  }
.LBB2_1:
0x17: {  	[dreg:$0x8] =	wrdreg s28  }
0x18: {  	s0 =	rddreg [dreg:$0x4];
	s28 =	simm.s32 $0x0  }
0x19: {  	[tilespmem:s28], [sflag:$0x5] =	stream.linear.gather [hbm4b:s0+s28], $0x6400, $0x38;
	[tilespmem:$0x1F400] =	vst v63  }
0x1a: {  	s0 =	simm.s32 $0x5  }
0x1b: {  	_ =	swait.ge [sflag:s0], $0x6400  }
0x1c: {  	[sflag:s0] =	ssyncset.done $0x0  }
0x1d: {  	[sflag:s0] =	ssyncadd.s32 $0xFFFF9C00  }
0x1e: {  	[tilespmem:s10], [sflag:$0x1] =	stream.indirect.gather [hbm4b:s3+s9], $0x20, s28, s9, $0xb8;
	[tilespmem:$0x1F400] =	vst v63  }
0x1f: {  	_ = 	snop  }
0x20: {  	[tilespmem:s19], [sflag:$0x1] =	stream.indirect.gather [hbm4b:s3+s11], $0x20, s9, s11, $0xb8;
	[tilespmem:$0x1F400] =	vst v63  }
0x21: {  	s0 =	simm.s32 $0xC8  }
0x22: {  	[tilespmem:s23], [sflag:$0x1] =	stream.indirect.gather [hbm4b:s3+s9], $0x20, s0, s9, $0xb8;
	[tilespmem:$0x1F400] =	vst v63  }
0x23: {  	s0 =	simm.s32 $0x148  }
0x24: {  	[tilespmem:s21], [sflag:$0x1] =	stream.indirect.gather [hbm4b:s3+s11], $0x20, s0, s11, $0xb8;
	[tilespmem:$0x1F400] =	vst v63  }
0x25: {  	s0 =	simm.s32 $0x190  }
0x26: {  	[tilespmem:s1], [sflag:$0x1] =	stream.indirect.gather [hbm4b:s3+s9], $0x20, s0, s9, $0xb8;
	[tilespmem:$0x1F400] =	vst v63  }
0x27: {  	s0 =	simm.s32 $0x210  }
0x28: {  	[tilespmem:s25], [sflag:$0x1] =	stream.indirect.gather [hbm4b:s3+s11], $0x20, s0, s11, $0xb8;
	[tilespmem:$0x1F400] =	vst v63  }
0x29: {  	s0 =	simm.s32 $0x258  }
0x2a: {  	[tilespmem:s17], [sflag:$0x1] =	stream.indirect.gather [hbm4b:s3+s9], $0x20, s0, s9, $0xb8;
	[tilespmem:$0x1F400] =	vst v63  }
0x2b: {  	s0 =	simm.s32 $0x2D8  }
0x2c: {  	[tilespmem:s4], [sflag:$0x1] =	stream.indirect.gather [hbm4b:s3+s11], $0x20, s0, s11, $0xb8;
	[tilespmem:$0x1F400] =	vst v63  }
0x2d: {  	s0 =	simm.s32 $0x320  }
0x2e: {  	[tilespmem:s5], [sflag:$0x1] =	stream.indirect.gather [hbm4b:s3+s9], $0x20, s0, s9, $0xb8;
	[tilespmem:$0x1F400] =	vst v63  }
0x2f: {  	s0 =	simm.s32 $0x3A0  }
0x30: {  	[tilespmem:s6], [sflag:$0x1] =	stream.indirect.gather [hbm4b:s3+s11], $0x20, s0, s11, $0xb8;
	[tilespmem:$0x1F400] =	vst v63  }
0x31: {  	s0 =	simm.s32 $0x3E8  }
0x32: {  	[tilespmem:s7], [sflag:$0x1] =	stream.indirect.gather [hbm4b:s3+s9], $0x20, s0, s9, $0xb8;
	[tilespmem:$0x1F400] =	vst v63  }
0x33: {  	s0 =	simm.s32 $0x468  }
0x34: {  	[tilespmem:s8], [sflag:$0x1] =	stream.indirect.gather [hbm4b:s3+s11], $0x20, s0, s11, $0xb8;
	[tilespmem:$0x1F400] =	vst v63  }
0x35: {  	s0 =	simm.s32 $0x4B0  }
0x36: {  	[tilespmem:s12], [sflag:$0x1] =	stream.indirect.gather [hbm4b:s3+s9], $0x20, s0, s9, $0xb8;
	[tilespmem:$0x1F400] =	vst v63  }
0x37: {  	s0 =	simm.s32 $0x530  }
0x38: {  	[tilespmem:s14], [sflag:$0x1] =	stream.indirect.gather [hbm4b:s3+s11], $0x20, s0, s11, $0xb8;
	[tilespmem:$0x1F400] =	vst v63  }
0x39: {  	s0 =	simm.s32 $0x578  }
0x3a: {  	[tilespmem:s16], [sflag:$0x1] =	stream.indirect.gather [hbm4b:s3+s9], $0x20, s0, s9, $0xb8;
	[tilespmem:$0x1F400] =	vst v63  }
0x3b: {  	s0 =	simm.s32 $0x5F8  }
0x3c: {  	[tilespmem:s18], [sflag:$0x1] =	stream.indirect.gather [hbm4b:s3+s11], $0x20, s0, s11, $0xb8;
	[tilespmem:$0x1F400] =	vst v63  }
0x3d: {  	_ =	swait.ge [sflag:s30], $0xC800  }
0x3e: {  	[sflag:s30] =	ssyncset.done $0x0  }
0x3f: {  	s0 =	rddreg [dreg:$0x5];
	[sflag:s30] =	ssyncadd.s32 $0xFFFF3800  }
0x40: {  	[hbm4b:s0+s28] =	stream.linear.scatter [tilespmem:s10], [sflag:$0x3], $0xC800, $0x38;
	[tilespmem:$0x1F400] =	vst v63  }
0x41: {  	s0 =	simm.s32 $0x640  }
0x42: {  	[tilespmem:s13], [sflag:$0x2] =	stream.indirect.gather [hbm4b:s3+s9], $0x20, s0, s9, $0xb8;
	[tilespmem:$0x1F400] =	vst v63  }
0x43: {  	s0 =	simm.s32 $0x6C0  }
0x44: {  	[tilespmem:s20], [sflag:$0x2] =	stream.indirect.gather [hbm4b:s3+s11], $0x20, s0, s11, $0xb8;
	[tilespmem:$0x1F400] =	vst v63  }
0x45: {  	s0 =	simm.s32 $0x708  }
0x46: {  	[tilespmem:s22], [sflag:$0x2] =	stream.indirect.gather [hbm4b:s3+s9], $0x20, s0, s9, $0xb8;
	[tilespmem:$0x1F400] =	vst v63  }
0x47: {  	s0 =	simm.s32 $0x788  }
0x48: {  	[tilespmem:s2], [sflag:$0x2] =	stream.indirect.gather [hbm4b:s3+s11], $0x20, s0, s11, $0xb8;
	[tilespmem:$0x1F400] =	vst v63  }
0x49: {  	s0 =	simm.s32 $0x7D0  }
0x4a: {  	[tilespmem:s31], [sflag:$0x2] =	stream.indirect.gather [hbm4b:s3+s9], $0x20, s0, s9, $0xb8;
	[tilespmem:$0x1F400] =	vst v63  }
0x4b: {  	s0 =	simm.s32 $0x850  }
0x4c: {  	[tilespmem:s15], [sflag:$0x2] =	stream.indirect.gather [hbm4b:s3+s11], $0x20, s0, s11, $0xb8;
	[tilespmem:$0x1F400] =	vst v63  }
0x4d: {  	s15 =	simm.s32 $0x17700;
	s0 =	simm.s32 $0x898  }
0x4e: {  	[tilespmem:s15], [sflag:$0x2] =	stream.indirect.gather [hbm4b:s3+s9], $0x20, s0, s9, $0xb8;
	[tilespmem:$0x1F400] =	vst v63  }
0x4f: {  	s15 =	simm.s32 $0x18700;
	s0 =	simm.s32 $0x918  }
0x50: {  	[tilespmem:s15], [sflag:$0x2] =	stream.indirect.gather [hbm4b:s3+s11], $0x20, s0, s11, $0xb8;
	[tilespmem:$0x1F400] =	vst v63  }
0x51: {  	s15 =	simm.s32 $0x19000;
	s0 =	simm.s32 $0x960  }
0x52: {  	[tilespmem:s15], [sflag:$0x2] =	stream.indirect.gather [hbm4b:s3+s9], $0x20, s0, s9, $0xb8;
	[tilespmem:$0x1F400] =	vst v63  }
0x53: {  	s15 =	simm.s32 $0x1A000;
	s0 =	simm.s32 $0x9E0  }
0x54: {  	[tilespmem:s15], [sflag:$0x2] =	stream.indirect.gather [hbm4b:s3+s11], $0x20, s0, s11, $0xb8;
	[tilespmem:$0x1F400] =	vst v63  }
0x55: {  	s15 =	simm.s32 $0x1A900;
	s0 =	simm.s32 $0xA28  }
0x56: {  	[tilespmem:s15], [sflag:$0x2] =	stream.indirect.gather [hbm4b:s3+s9], $0x20, s0, s9, $0xb8;
	[tilespmem:$0x1F400] =	vst v63  }
0x57: {  	s15 =	simm.s32 $0x1B900;
	s0 =	simm.s32 $0xAA8  }
0x58: {  	[tilespmem:s15], [sflag:$0x2] =	stream.indirect.gather [hbm4b:s3+s11], $0x20, s0, s11, $0xb8;
	[tilespmem:$0x1F400] =	vst v63  }
0x59: {  	s15 =	simm.s32 $0x1C200;
	s0 =	simm.s32 $0xAF0  }
0x5a: {  	[tilespmem:s15], [sflag:$0x2] =	stream.indirect.gather [hbm4b:s3+s9], $0x20, s0, s9, $0xb8;
	[tilespmem:$0x1F400] =	vst v63  }
0x5b: {  	s15 =	simm.s32 $0x1D200;
	s0 =	simm.s32 $0xB70  }
0x5c: {  	[tilespmem:s15], [sflag:$0x2] =	stream.indirect.gather [hbm4b:s3+s11], $0x20, s0, s11, $0xb8;
	[tilespmem:$0x1F400] =	vst v63  }
0x5d: {  	s15 =	simm.s32 $0x1DB00;
	s0 =	simm.s32 $0xBB8  }
0x5e: {  	[tilespmem:s15], [sflag:$0x2] =	stream.indirect.gather [hbm4b:s3+s9], $0x20, s0, s9, $0xb8;
	[tilespmem:$0x1F400] =	vst v63  }
0x5f: {  	s0 =	simm.s32 $0x1EB00;
	s15 =	simm.s32 $0xC38  }
0x60: {  	[tilespmem:s0], [sflag:$0x2] =	stream.indirect.gather [hbm4b:s3+s11], $0x20, s15, s11, $0xb8;
	[tilespmem:$0x1F400] =	vst v63  }
0x61: {  	_ =	swait.ge [sflag:s24], $0xC800  }
0x62: {  	s15 =	rddreg [dreg:$0x3]  }
0x63: {  	[sflag:s24] =	ssyncset.done $0x0;
	s0 =	sadd.s32 $0x0, s15  }
0x64: {  	[sflag:s24] =	ssyncadd.s32 $0xFFFF3800;
	s15 =	sadd.s32 $0x1900, s0  }
0x65: {  	[hbm4b:s15+s28] =	stream.linear.scatter [tilespmem:s13], [sflag:$0x4], $0xC800, $0x38;
	[tilespmem:$0x1F400] =	vst v63  }
0x66: {  	_ =	swait.ge [sflag:s26], $0xC800  }
0x67: {  	[sflag:s26] =	ssyncset.done $0x0  }
0x68: {  	s15 =	simm.s32 $0xC80;
	[sflag:s26] =	ssyncadd.s32 $0xFFFF3800  }
0x69: {  	[tilespmem:s10], [sflag:$0x1] =	stream.indirect.gather [hbm4b:s3+s9], $0x20, s15, s9, $0xb8;
	[tilespmem:$0x1F400] =	vst v63  }
0x6a: {  	s15 =	simm.s32 $0xD00  }
0x6b: {  	[tilespmem:s19], [sflag:$0x1] =	stream.indirect.gather [hbm4b:s3+s11], $0x20, s15, s11, $0xb8;
	[tilespmem:$0x1F400] =	vst v63  }
0x6c: {  	s19 =	simm.s32 $0xD48  }
0x6d: {  	[tilespmem:s23], [sflag:$0x1] =	stream.indirect.gather [hbm4b:s3+s9], $0x20, s19, s9, $0xb8;
	[tilespmem:$0x1F400] =	vst v63  }
0x6e: {  	s19 =	simm.s32 $0xDC8  }
0x6f: {  	[tilespmem:s21], [sflag:$0x1] =	stream.indirect.gather [hbm4b:s3+s11], $0x20, s19, s11, $0xb8;
	[tilespmem:$0x1F400] =	vst v63  }
0x70: {  	s21 =	simm.s32 $0xE10  }
0x71: {  	[tilespmem:s1], [sflag:$0x1] =	stream.indirect.gather [hbm4b:s3+s9], $0x20, s21, s9, $0xb8;
	[tilespmem:$0x1F400] =	vst v63  }
0x72: {  	s23 =	simm.s32 $0xE90  }
0x73: {  	[tilespmem:s25], [sflag:$0x1] =	stream.indirect.gather [hbm4b:s3+s11], $0x20, s23, s11, $0xb8;
	[tilespmem:$0x1F400] =	vst v63  }
0x74: {  	s25 =	simm.s32 $0xED8  }
0x75: {  	[tilespmem:s17], [sflag:$0x1] =	stream.indirect.gather [hbm4b:s3+s9], $0x20, s25, s9, $0xb8;
	[tilespmem:$0x1F400] =	vst v63  }
0x76: {  	s1 =	simm.s32 $0xF58  }
0x77: {  	[tilespmem:s4], [sflag:$0x1] =	stream.indirect.gather [hbm4b:s3+s11], $0x20, s1, s11, $0xb8;
	[tilespmem:$0x1F400] =	vst v63  }
0x78: {  	s4 =	simm.s32 $0xFA0  }
0x79: {  	[tilespmem:s5], [sflag:$0x1] =	stream.indirect.gather [hbm4b:s3+s9], $0x20, s4, s9, $0xb8;
	[tilespmem:$0x1F400] =	vst v63  }
0x7a: {  	s5 =	simm.s32 $0x1020  }
0x7b: {  	[tilespmem:s6], [sflag:$0x1] =	stream.indirect.gather [hbm4b:s3+s11], $0x20, s5, s11, $0xb8;
	[tilespmem:$0x1F400] =	vst v63  }
0x7c: {  	s6 =	simm.s32 $0x1068  }
0x7d: {  	[tilespmem:s7], [sflag:$0x1] =	stream.indirect.gather [hbm4b:s3+s9], $0x20, s6, s9, $0xb8;
	[tilespmem:$0x1F400] =	vst v63  }
0x7e: {  	s7 =	simm.s32 $0x10E8  }
0x7f: {  	[tilespmem:s8], [sflag:$0x1] =	stream.indirect.gather [hbm4b:s3+s11], $0x20, s7, s11, $0xb8;
	[tilespmem:$0x1F400] =	vst v63  }
0x80: {  	s8 =	simm.s32 $0x1130  }
0x81: {  	[tilespmem:s12], [sflag:$0x1] =	stream.indirect.gather [hbm4b:s3+s9], $0x20, s8, s9, $0xb8;
	[tilespmem:$0x1F400] =	vst v63  }
0x82: {  	s12 =	simm.s32 $0x11B0  }
0x83: {  	[tilespmem:s14], [sflag:$0x1] =	stream.indirect.gather [hbm4b:s3+s11], $0x20, s12, s11, $0xb8;
	[tilespmem:$0x1F400] =	vst v63  }
0x84: {  	s14 =	simm.s32 $0x11F8  }
0x85: {  	[tilespmem:s16], [sflag:$0x1] =	stream.indirect.gather [hbm4b:s3+s9], $0x20, s14, s9, $0xb8;
	[tilespmem:$0x1F400] =	vst v63  }
0x86: {  	s17 =	simm.s32 $0x1278  }
0x87: {  	[tilespmem:s18], [sflag:$0x1] =	stream.indirect.gather [hbm4b:s3+s11], $0x20, s17, s11, $0xb8;
	[tilespmem:$0x1F400] =	vst v63  }
0x88: {  	_ =	swait.ge [sflag:s30], $0xC800  }
0x89: {  	[sflag:s30] =	ssyncset.done $0x0  }
0x8a: {  	s0 =	sadd.s32 $0x3200, s0;
	[sflag:s30] =	ssyncadd.s32 $0xFFFF3800  }
0x8b: {  	[hbm4b:s0+s28] =	stream.linear.scatter [tilespmem:s10], [sflag:$0x3], $0xC800, $0x38;
	[tilespmem:$0x1F400] =	vst v63  }
0x8c: {  	_ =	swait.ge [sflag:s29], $0xC800  }
0x8d: {  	[sflag:s29] =	ssyncset.done $0x0  }
0x8e: {  	s18 =	simm.s32 $0x12C0;
	[sflag:s29] =	ssyncadd.s32 $0xFFFF3800  }
0x8f: {  	[tilespmem:s13], [sflag:$0x2] =	stream.indirect.gather [hbm4b:s3+s9], $0x20, s18, s9, $0xb8;
	[tilespmem:$0x1F400] =	vst v63  }
0x90: {  	s19 =	simm.s32 $0x1340  }
0x91: {  	[tilespmem:s20], [sflag:$0x2] =	stream.indirect.gather [hbm4b:s3+s11], $0x20, s19, s11, $0xb8;
	[tilespmem:$0x1F400] =	vst v63  }
0x92: {  	s15 =	simm.s32 $0x16A8;
	s21 =	simm.s32 $0x1388;
	s23 =	simm.s32 $0x1408  }
0x93: {  	[tilespmem:s22], [sflag:$0x2] =	stream.indirect.gather [hbm4b:s3+s9], $0x20, s21, s9, $0xb8;
	[tilespmem:$0x1F400] =	vst v63  }
0x94: {  	s25 =	simm.s32 $0x1450;
	s1 =	simm.s32 $0x14D0;
	s4 =	simm.s32 $0x1518  }
0x95: {  	[tilespmem:s2], [sflag:$0x2] =	stream.indirect.gather [hbm4b:s3+s11], $0x20, s23, s11, $0xb8;
	[tilespmem:$0x1F400] =	vst v63  }
0x96: {  	s5 =	simm.s32 $0x17700;
	s6 =	simm.s32 $0x1598;
	s7 =	simm.s32 $0x18700  }
0x97: {  	[tilespmem:s31], [sflag:$0x2] =	stream.indirect.gather [hbm4b:s3+s9], $0x20, s25, s9, $0xb8;
	[tilespmem:$0x1F400] =	vst v63  }
0x98: {  	s8 =	simm.s32 $0x15E0;
	s12 =	simm.s32 $0x1660;
	s2 =	simm.s32 $0x16E00  }
0x99: {  	[tilespmem:s2], [sflag:$0x2] =	stream.indirect.gather [hbm4b:s3+s11], $0x20, s1, s11, $0xb8;
	[tilespmem:$0x1F400] =	vst v63  }
0x9a: {  	s14 =	simm.s32 $0x1A000;
	s16 =	simm.s32 $0x1A900;
	s17 =	simm.s32 $0x1728  }
0x9b: {  	[tilespmem:s5], [sflag:$0x2] =	stream.indirect.gather [hbm4b:s3+s9], $0x20, s4, s9, $0xb8;
	[tilespmem:$0x1F400] =	vst v63  }
0x9c: {  	s10 =	simm.s32 $0x19000;
	s28 =	simm.s32 $0x6400;
	s0 =	simm.s32 $0x18B8  }
0x9d: {  	[tilespmem:s7], [sflag:$0x2] =	stream.indirect.gather [hbm4b:s3+s11], $0x20, s6, s11, $0xb8;
	[tilespmem:$0x1F400] =	vst v63  }
0x9e: {  	s18 =	simm.s32 $0x1B900;
	s19 =	simm.s32 $0x1770;
	s20 =	simm.s32 $0x1C200  }
0x9f: {  	[tilespmem:s10], [sflag:$0x2] =	stream.indirect.gather [hbm4b:s3+s9], $0x20, s8, s9, $0xb8;
	[tilespmem:$0x1F400] =	vst v63  }
0xa0: {  	s21 =	simm.s32 $0x17F0;
	s22 =	simm.s32 $0x1D200;
	s23 =	simm.s32 $0x1838  }
0xa1: {  	[tilespmem:s14], [sflag:$0x2] =	stream.indirect.gather [hbm4b:s3+s11], $0x20, s12, s11, $0xb8;
	[tilespmem:$0x1F400] =	vst v63  }
0xa2: {  	s25 =	simm.s32 $0x1DB00;
	s31 =	simm.s32 $0x3200;
	s1 =	simm.s32 $0x9600  }
0xa3: {  	[tilespmem:s16], [sflag:$0x2] =	stream.indirect.gather [hbm4b:s3+s9], $0x20, s15, s9, $0xb8;
	[tilespmem:$0x1F400] =	vst v63  }
0xa4: {  	s2 =	simm.s32 $0x15500;
	s4 =	simm.s32 $0xBF00;
	s5 =	simm.s32 $0xC800  }
0xa5: {  	[tilespmem:s18], [sflag:$0x2] =	stream.indirect.gather [hbm4b:s3+s11], $0x20, s17, s11, $0xb8;
	[tilespmem:$0x1F400] =	vst v63  }
0xa6: {  	s6 =	simm.s32 $0xD800;
	s7 =	simm.s32 $0xE100;
	s8 =	simm.s32 $0xF100  }
0xa7: {  	[tilespmem:s20], [sflag:$0x2] =	stream.indirect.gather [hbm4b:s3+s9], $0x20, s19, s9, $0xb8;
	[tilespmem:$0x1F400] =	vst v63  }
0xa8: {  	s12 =	simm.s32 $0xFA00;
	s14 =	simm.s32 $0x10A00;
	s16 =	simm.s32 $0x11300  }
0xa9: {  	[tilespmem:s22], [sflag:$0x2] =	stream.indirect.gather [hbm4b:s3+s11], $0x20, s21, s11, $0xb8;
	[tilespmem:$0x1F400] =	vst v63  }
0xaa: {  	s17 =	simm.s32 $0xAF00;
	s18 =	simm.s32 $0x12300;
	s20 =	simm.s32 $0x13C00  }
0xab: {  	[tilespmem:s25], [sflag:$0x2] =	stream.indirect.gather [hbm4b:s3+s9], $0x20, s23, s9, $0xb8;
	[tilespmem:$0x1F400] =	vst v63  }
0xac: {  	s22 =	simm.s32 $0x14500;
	s25 =	simm.s32 $0xA600;
	s23 =	simm.s32 $0x7400  }
.LBB2_2:
0xad: {  	s10 =	simm.s32 $0x1EB00  }
0xae: {  	[tilespmem:s10], [sflag:$0x2] =	stream.indirect.gather [hbm4b:s3+s11], $0x20, s0, s11, $0xb8;
	[tilespmem:$0x1F400] =	vst v63  }
0xaf: {  	_ =	swait.ge [sflag:s24], $0xC800  }
0xb0: {  	s21 =	smov.u32 s31;
	s15 =	rddreg [dreg:$0x3]  }
0xb1: {  	[sflag:s24] =	ssyncset.done $0x0;
	s15 =	sadd.s32 s21, s15  }
0xb2: {  	s10 =	simm.s32 $0x0;
	[sflag:s24] =	ssyncadd.s32 $0xFFFF3800;
	s19 =	sadd.s32 $0x1900, s15  }
0xb3: {  	[hbm4b:s19+s10] =	stream.linear.scatter [tilespmem:s13], [sflag:$0x4], $0xC800, $0x38;
	[tilespmem:$0x1F400] =	vst v63  }
0xb4: {  	_ =	swait.ge [sflag:s26], $0xC800  }
0xb5: {  	s0 =	sshra.s32 s21, $0x2;
	[sflag:s26] =	ssyncset.done $0x0  }
0xb6: {  	s21 =	sadd.s32 $0xC80, s0;
	[sflag:s26] =	ssyncadd.s32 $0xFFFF3800  }
0xb7: {  	[tilespmem:s28], [sflag:$0x1] =	stream.indirect.gather [hbm4b:s3+s9], $0x20, s21, s9, $0xb8;
	[tilespmem:$0x1F400] =	vst v63  }
0xb8: {  	s21 =	sadd.s32 $0xD00, s0  }
0xb9: {  	[tilespmem:s23], [sflag:$0x1] =	stream.indirect.gather [hbm4b:s3+s11], $0x20, s21, s11, $0xb8;
	[tilespmem:$0x1F400] =	vst v63  }
0xba: {  	s19 =	sadd.s32 $0xD48, s0;
	s21 =	simm.s32 $0x7D00  }
0xbb: {  	[tilespmem:s21], [sflag:$0x1] =	stream.indirect.gather [hbm4b:s3+s9], $0x20, s19, s9, $0xb8;
	[tilespmem:$0x1F400] =	vst v63  }
0xbc: {  	s19 =	sadd.s32 $0xDC8, s0;
	s21 =	simm.s32 $0x8D00  }
0xbd: {  	[tilespmem:s21], [sflag:$0x1] =	stream.indirect.gather [hbm4b:s3+s11], $0x20, s19, s11, $0xb8;
	[tilespmem:$0x1F400] =	vst v63  }
0xbe: {  	s21 =	sadd.s32 $0xE10, s0  }
0xbf: {  	[tilespmem:s1], [sflag:$0x1] =	stream.indirect.gather [hbm4b:s3+s9], $0x20, s21, s9, $0xb8;
	[tilespmem:$0x1F400] =	vst v63  }
0xc0: {  	s21 =	sadd.s32 $0xE90, s0  }
0xc1: {  	[tilespmem:s25], [sflag:$0x1] =	stream.indirect.gather [hbm4b:s3+s11], $0x20, s21, s11, $0xb8;
	[tilespmem:$0x1F400] =	vst v63  }
0xc2: {  	s21 =	sadd.s32 $0xED8, s0  }
0xc3: {  	[tilespmem:s17], [sflag:$0x1] =	stream.indirect.gather [hbm4b:s3+s9], $0x20, s21, s9, $0xb8;
	[tilespmem:$0x1F400] =	vst v63  }
0xc4: {  	s21 =	sadd.s32 $0xF58, s0  }
0xc5: {  	[tilespmem:s4], [sflag:$0x1] =	stream.indirect.gather [hbm4b:s3+s11], $0x20, s21, s11, $0xb8;
	[tilespmem:$0x1F400] =	vst v63  }
0xc6: {  	s21 =	sadd.s32 $0xFA0, s0  }
0xc7: {  	[tilespmem:s5], [sflag:$0x1] =	stream.indirect.gather [hbm4b:s3+s9], $0x20, s21, s9, $0xb8;
	[tilespmem:$0x1F400] =	vst v63  }
0xc8: {  	s21 =	sadd.s32 $0x1020, s0  }
0xc9: {  	[tilespmem:s6], [sflag:$0x1] =	stream.indirect.gather [hbm4b:s3+s11], $0x20, s21, s11, $0xb8;
	[tilespmem:$0x1F400] =	vst v63  }
0xca: {  	s21 =	sadd.s32 $0x1068, s0  }
0xcb: {  	[tilespmem:s7], [sflag:$0x1] =	stream.indirect.gather [hbm4b:s3+s9], $0x20, s21, s9, $0xb8;
	[tilespmem:$0x1F400] =	vst v63  }
0xcc: {  	s21 =	sadd.s32 $0x10E8, s0  }
0xcd: {  	[tilespmem:s8], [sflag:$0x1] =	stream.indirect.gather [hbm4b:s3+s11], $0x20, s21, s11, $0xb8;
	[tilespmem:$0x1F400] =	vst v63  }
0xce: {  	s21 =	sadd.s32 $0x1130, s0  }
0xcf: {  	[tilespmem:s12], [sflag:$0x1] =	stream.indirect.gather [hbm4b:s3+s9], $0x20, s21, s9, $0xb8;
	[tilespmem:$0x1F400] =	vst v63  }
0xd0: {  	s21 =	sadd.s32 $0x11B0, s0  }
0xd1: {  	[tilespmem:s14], [sflag:$0x1] =	stream.indirect.gather [hbm4b:s3+s11], $0x20, s21, s11, $0xb8;
	[tilespmem:$0x1F400] =	vst v63  }
0xd2: {  	s21 =	sadd.s32 $0x11F8, s0  }
0xd3: {  	[tilespmem:s16], [sflag:$0x1] =	stream.indirect.gather [hbm4b:s3+s9], $0x20, s21, s9, $0xb8;
	[tilespmem:$0x1F400] =	vst v63  }
0xd4: {  	s21 =	sadd.s32 $0x1278, s0  }
0xd5: {  	[tilespmem:s18], [sflag:$0x1] =	stream.indirect.gather [hbm4b:s3+s11], $0x20, s21, s11, $0xb8;
	[tilespmem:$0x1F400] =	vst v63  }
0xd6: {  	_ =	swait.ge [sflag:s30], $0xC800  }
0xd7: {  	[sflag:s30] =	ssyncset.done $0x0  }
0xd8: {  	s15 =	sadd.s32 $0x3200, s15;
	[sflag:s30] =	ssyncadd.s32 $0xFFFF3800  }
0xd9: {  	[hbm4b:s15+s10] =	stream.linear.scatter [tilespmem:s28], [sflag:$0x3], $0xC800, $0x38;
	[tilespmem:$0x1F400] =	vst v63  }
0xda: {  	_ =	swait.ge [sflag:s29], $0xC800  }
0xdb: {  	[sflag:s29] =	ssyncset.done $0x0  }
0xdc: {  	s10 =	sadd.s32 $0x12C0, s0;
	[sflag:s29] =	ssyncadd.s32 $0xFFFF3800  }
0xdd: {  	[tilespmem:s13], [sflag:$0x2] =	stream.indirect.gather [hbm4b:s3+s9], $0x20, s10, s9, $0xb8;
	[tilespmem:$0x1F400] =	vst v63  }
0xde: {  	s21 =	sadd.s32 $0x1340, s0  }
0xdf: {  	[tilespmem:s20], [sflag:$0x2] =	stream.indirect.gather [hbm4b:s3+s11], $0x20, s21, s11, $0xb8;
	[tilespmem:$0x1F400] =	vst v63  }
0xe0: {  	s10 =	sadd.s32 $0x1388, s0  }
0xe1: {  	[tilespmem:s22], [sflag:$0x2] =	stream.indirect.gather [hbm4b:s3+s9], $0x20, s10, s9, $0xb8;
	[tilespmem:$0x1F400] =	vst v63  }
0xe2: {  	s21 =	sadd.s32 $0x1408, s0  }
0xe3: {  	[tilespmem:s2], [sflag:$0x2] =	stream.indirect.gather [hbm4b:s3+s11], $0x20, s21, s11, $0xb8;
	[tilespmem:$0x1F400] =	vst v63  }
0xe4: {  	s10 =	sadd.s32 $0x1450, s0;
	s21 =	simm.s32 $0x15E00  }
0xe5: {  	[tilespmem:s21], [sflag:$0x2] =	stream.indirect.gather [hbm4b:s3+s9], $0x20, s10, s9, $0xb8;
	[tilespmem:$0x1F400] =	vst v63  }
0xe6: {  	s10 =	sadd.s32 $0x14D0, s0;
	s21 =	simm.s32 $0x16E00  }
0xe7: {  	[tilespmem:s21], [sflag:$0x2] =	stream.indirect.gather [hbm4b:s3+s11], $0x20, s10, s11, $0xb8;
	[tilespmem:$0x1F400] =	vst v63  }
0xe8: {  	s10 =	sadd.s32 $0x1518, s0;
	s21 =	simm.s32 $0x17700  }
0xe9: {  	[tilespmem:s21], [sflag:$0x2] =	stream.indirect.gather [hbm4b:s3+s9], $0x20, s10, s9, $0xb8;
	[tilespmem:$0x1F400] =	vst v63  }
0xea: {  	s10 =	sadd.s32 $0x1598, s0;
	s21 =	simm.s32 $0x18700  }
0xeb: {  	[tilespmem:s21], [sflag:$0x2] =	stream.indirect.gather [hbm4b:s3+s11], $0x20, s10, s11, $0xb8;
	[tilespmem:$0x1F400] =	vst v63  }
0xec: {  	s10 =	sadd.s32 $0x15E0, s0;
	s21 =	simm.s32 $0x19000  }
0xed: {  	[tilespmem:s21], [sflag:$0x2] =	stream.indirect.gather [hbm4b:s3+s9], $0x20, s10, s9, $0xb8;
	[tilespmem:$0x1F400] =	vst v63  }
0xee: {  	s10 =	sadd.s32 $0x1660, s0;
	s21 =	simm.s32 $0x1A000  }
0xef: {  	[tilespmem:s21], [sflag:$0x2] =	stream.indirect.gather [hbm4b:s3+s11], $0x20, s10, s11, $0xb8;
	[tilespmem:$0x1F400] =	vst v63  }
0xf0: {  	s10 =	sadd.s32 $0x16A8, s0;
	s21 =	simm.s32 $0x1A900  }
0xf1: {  	[tilespmem:s21], [sflag:$0x2] =	stream.indirect.gather [hbm4b:s3+s9], $0x20, s10, s9, $0xb8;
	[tilespmem:$0x1F400] =	vst v63  }
0xf2: {  	s10 =	sadd.s32 $0x1728, s0;
	s21 =	simm.s32 $0x1B900  }
0xf3: {  	[tilespmem:s21], [sflag:$0x2] =	stream.indirect.gather [hbm4b:s3+s11], $0x20, s10, s11, $0xb8;
	[tilespmem:$0x1F400] =	vst v63  }
0xf4: {  	p0 =	sne.s32 s31, $0x12C00;
	s10 =	sadd.s32 $0x1770, s0;
	s21 =	simm.s32 $0x1C200  }
0xf5: {  	[tilespmem:s21], [sflag:$0x2] =	stream.indirect.gather [hbm4b:s3+s9], $0x20, s10, s9, $0xb8;
	[tilespmem:$0x1F400] =	vst v63  }
.Ltmp0:
0xf6: {  	s31 =	sadd.s32 $0x3200, s31;
	(pc) =	sbr.rel @p0 .LBB2_2-.Ltmp0, $4  }
0xf7: {  	s19 =	simm.s32 $0x0;
	s10 =	sadd.s32 $0x17F0, s0;
	s21 =	simm.s32 $0x1D200  }
0xf8: {  	[tilespmem:s21], [sflag:$0x2] =	stream.indirect.gather [hbm4b:s3+s11], $0x20, s10, s11, $0xb8;
	[tilespmem:$0x1F400] =	vst v63  }
0xf9: {  	s10 =	sadd.s32 $0x1838, s0;
	s21 =	simm.s32 $0x1DB00;
	s0 =	sadd.s32 $0x18B8, s0  }
0xfa: {  	[tilespmem:s21], [sflag:$0x2] =	stream.indirect.gather [hbm4b:s3+s9], $0x20, s10, s9, $0xb8;
	[tilespmem:$0x1F400] =	vst v63  }
0xfb: {  	s1 =	simm.s32 $0x1EB00  }
0xfc: {  	[tilespmem:s1], [sflag:$0x2] =	stream.indirect.gather [hbm4b:s3+s11], $0x20, s0, s11, $0xb8;
	[tilespmem:$0x1F400] =	vst v63  }
0xfd: {  	_ =	swait.ge [sflag:s24], $0xC800  }
0xfe: {  	[sflag:s24] =	ssyncset.done $0x0  }
0xff: {  	s23 =	rddreg [dreg:$0x6];
	[sflag:s24] =	ssyncadd.s32 $0xFFFF3800  }
0x100: {  	[hbm4b:s23+s19] =	stream.linear.scatter [tilespmem:s13], [sflag:$0x4], $0xC800, $0x38;
	[tilespmem:$0x1F400] =	vst v63  }
0x101: {  	_ =	swait.ge [sflag:s26], $0xC800  }
0x102: {  	[sflag:s26] =	ssyncset.done $0x0  }
0x103: {  	s21 =	simm.s32 $0x8D00;
	s17 =	simm.s32 $0xAF00;
	[sflag:s26] =	ssyncadd.s32 $0xFFFF3800  }
0x104: {  	s4 =	simm.s32 $0xBF00;
	s5 =	simm.s32 $0xC800;
	_ =	swait.ge [sflag:s29], $0xC800  }
0x105: {  	s6 =	simm.s32 $0xD800;
	s7 =	simm.s32 $0xE100;
	s28 =	rddreg [dreg:$0x8]  }
0x106: {  	s8 =	simm.s32 $0xF100;
	s25 =	rddreg [dreg:$0x7];
	s28 =	sadd.s32 $0x1, s28  }
0x107: {  	s12 =	simm.s32 $0xFA00;
	s14 =	simm.s32 $0x10A00;
	p0 =	sne.s32 s28, s25  }
.Ltmp1:
0x108: {  	s16 =	simm.s32 $0x11300;
	s18 =	simm.s32 $0x12300;
	(pc) =	sbr.rel @p0 .LBB2_1-.Ltmp1, $4  }
0x109: {  	s20 =	simm.s32 $0x13C00;
	s22 =	simm.s32 $0x14500;
	s2 =	simm.s32 $0x15500  }
0x10a: {  	s10 =	simm.s32 $0x6400;
	s31 =	simm.s32 $0x15E00;
	s15 =	simm.s32 $0x16E00  }
0x10b: {  	s1 =	simm.s32 $0x9600;
	s19 =	simm.s32 $0x7400;
	[sflag:s29] =	ssyncset.done $0x0  }
0x10c: {  	s23 =	simm.s32 $0x7D00;
	[sflag:s29] =	ssyncadd.s32 $0xFFFF3800;
	s25 =	simm.s32 $0xA600  }
0x10d: {  	_ =	sfence.sel $0x180000  }
0x10e: {  	[bflag:$0x0] =	sbarrier.arrive $0xFFFF  }
0x10f: {  	_ =	strace $0x90000047  }
0x110: {  	s0 =	stileid.u32;
	[bflag:$0x2] =	sbarrier.arrive $0xFFFF  }
0x111: {  	p0 =	sne.s32 s0, $0x0;
	s0 =	rddreg [dreg:$0x2]  }
0x112: {  	s0 =	sadd.s32 @!p0 $0x100000, s0  }
0x113: {  	[sflag:s0] =	ssyncadd.tile.s32 @!p0 $0x1;
	_ =	shalt  }
.Lfunc_end2:
_tile_overlayer_lowered:
.L_overlay_start_2:
0x114: {  	(tag) =	ssettag $0x2  }
0x115: {  	s0 =	rddreg [dreg:$0x0];
	s2 =	stileid.u32  }
0x116: {  	s1 =	rddreg [dreg:$0x1];
	p0 =	sne.s32 s2, $0x0  }
0x117: {  	s3 =	rddreg [dreg:$0x2];
	[bflag:$0x3] =	sbarrier.arrive $0xFFFF;
	s2 =	simm.s32 @!p0 $0x1C05  }
0x118: {  	[timem:s3], [sflag:s2] =	dma.local @!p0 [hbm:s0], s1  }
0x119: {  	s0 =	simm.s32 @!p0 $0x5  }
0x11a: {  	_ =	swait.ge @!p0 [sflag:s0], s1  }
0x11b: {  	s1 =	ssub.s32 @!p0 $0x0, s1;
	[sflag:s0] =	ssyncset.done @!p0 $0x0  }
0x11c: {  	[sflag:s0] =	ssyncadd.s32 @!p0 s1  }
0x11d: {  	[bflag:$0x3] =	sbarrier.arrive $0xFFFF  }
0x11e: {  	_ =	shalt  }

// kernel: sparse-core-data-format-call.cloned.1.call-start
scs
called_computation_lowered:
.L_overlay_start_0:
0x0: {  	s2 =	sld [smem:$0x3FD9]  }
0x1: {  	s3 =	sld [smem:$0x3FFE];
	_ =	sdelay $0x1  }
0x2: {  	s1 =	srdreg.scid  }
0x3: {  	s0 =	sand.u32 $0x1, s1  }
0x4: {  	s18 =	sshll.u32 s0, $0xA;
	s2 =	sadd.s32 s3, s2  }
0x5: {  	s2 =	sadd.s32 s2, s18  }
0x6: {  	[smem:$0x3FC6] =	sst s2  }
0x7: {  	_ = 	snop  }
0x8: {  	s2 =	sld [smem:$0x3FD0];
	(tm) =	ssettm $0x1  }
0x9: {  	s19 =	sld [smem:$0x3FFB];
	_ =	sdelay $0x3  }
0xa: {  	_ =	strace s19  }
0xb: {  	s3 =	sld [smem:$0x3FFC];
	_ =	sdelay $0x3  }
0xc: {  	_ =	strace s3  }
0xd: {  	s3 =	sld [smem:$0x3FFD];
	_ =	sdelay $0x3  }
0xe: {  	_ =	strace s3  }
0xf: {  	_ =	strace $0x8FFFFFFF  }
0x10: {  	s20 =	sld [smem:$0x3FDB];
	_ =	sdelay $0x1  }
0x11: {  	s4 =	simm.s32 $_scs_section_size  }
0x12: {  	s5 =	simm.s32 $_size__tile_overlayer_lowered;
	s6 =	simm.s32 $_tile_overlayer_lowered  }
0x13: {  	s23 =	simm.s32 $0x1BFF;
	s22 =	sshll.u32 s6, $0x1;
	s3 =	sadd.s32 s4, s20  }
0x14: {  	s7 =	simm.s32 $0x0;
	s21 =	sshll.u32 s5, $0x1;
	s5 =	sadd.s32 s22, s3  }
0x15: {  	[timem:s7], [sflag:s23] =	dma.local [hbm:s5], s21  }
0x16: {  	_ =	swait.ge [sflag:s23], s21  }
0x17: {  	s4 =	ssub.s32 $0x0, s21;
	[sflag:s23] =	ssyncset.done $0x0  }
0x18: {  	[sflag:s23] =	ssyncadd.s32 s4;
	_ =	sdelay $0x1  }
0x19: {  	s24 =	simm.s32 $0x1B8B  }
0x1a: {  	_ =	swait.ge [sflag:s24], $0x1  }
0x1b: {  	[sflag:s24] =	ssyncset.done $0x0  }
0x1c: {  	s26 =	simm.s32 $0x1B8E;
	s25 =	sld [smem:$0x3FFE];
	[sflag:s24] =	ssyncadd.s32 $0xFFFFFFFF  }
0x1d: {  	s27 =	simm.s32 $execute0_lowered;
	[smem:$0x3FD2] =	sst s26  }
0x1e: {  	s5 =	sshll.u32 s27, $0x1;
	_ =	strace $0x80000049;
	[dreg:$0x1] =	wrdreg $0xFFFFFFFF  }
0x1f: {  	s28 =	simm.s32 $_size_execute0_lowered;
	s3 =	sadd.s32 s3, s5;
	[dreg:$0x0] =	wrdreg $0x0  }
0x20: {  	s5 =	sshll.u32 s28, $0x1;
	[dreg:$0x2] =	wrdreg s3  }
0x21: {  	[dreg:$0x3] =	wrdreg s5  }
0x22: {  	[dreg:$0x4] =	wrdreg $0xC0  }
0x23: {  	_ =	task [dreg:s7], $0x5FFFF  }
0x24: {  	[dreg:$0x1] =	wrdreg $0xFFFFFFFF  }
0x25: {  	[dreg:$0x0] =	wrdreg $0x60  }
0x26: {  	[dreg:$0x2] =	wrdreg s25  }
0x27: {  	[dreg:$0x3] =	wrdreg s2  }
0x28: {  	[dreg:$0x4] =	wrdreg $0x9  }
0x29: {  	_ =	task.clear_ibuf [dreg:s7], $0x5FFFF;
	_ =	strace $0x90000049  }
0x2a: {  	s29 =	simm.s32 $0x9;
	_ =	strace $0x8000004B  }
0x2b: {  	_ =	swait.ge [sflag:s29], $0x1  }
0x2c: {  	[sflag:s29] =	ssyncadd.s32 $0xFFFFFFFF  }
0x2d: {  	_ =	strace $0x9000004B  }
0x2e: {  	_ =	sfence  }
0x2f: {  	s30 =	sld [smem:$0x0];
	_ =	sdelay $0x2  }
0x30: {  	s31 =	sshll.u32 s1, $0xD;
	s1 =	sshrl.u32 s1, $0x2  }
0x31: {  	s3 =	sand.u32 $0x4000, s31;
	s1 =	sadd.s32 s1, s30  }
0x32: {  	s0 =	sor.u32 s3, s0;
	s1 =	sshll.u32 s1, $0x11  }
0x33: {  	s0 =	sor.u32 s1, s0  }
0x34: {  	s0 =	sadd.s32 $0x8F2B, s0  }
0x35: {  	[sflag:s0] =	ssyncadd.remote.s32 $0x1  }
0x36: {  	_ =	sfence.sel $0xFFFF  }
0x37: {  	[dreg:$0x0] =	wrdreg $0xFFFFFFFF;
	(pc) =	sbr.abs _section_cstart, $3  }
0x38: {  	[dreg:$0x1] =	wrdreg $0xFFFFFFFF  }
0x39: {  	_ =	task.clear_ibuf [dreg:s7], $0x2FFFF;
	_ =	strace $0x9FFFFFFF  }
0x3a: {  	(tm) =	ssettm $0x7FFFFFFF  }
0x3b: {  	_ =	shalt  }
tec
execute0_lowered:
.L_overlay_start_1:
0x0: {  	(tag) =	ssettag $0x1  }
0x1: {  	s0 =	srdreg.scid  }
0x2: {  	s1 =	sshll.u32 s0, $0x4  }
0x3: {  	s0 =	stileid.u32;
	s1 =	sand.u32 $0x10, s1  }
0x4: {  	s1 =	sor.u32 s0, s1  }
0x5: {  	s6 =	rddreg [dreg:$0x0];
	s4 =	simm.s32 $0x1;
	s2 =	sshll.u32 s1, $0x7  }
0x6: {  	s7 =	simm.s32 $0x2;
	s12 =	simm.s32 $0x0;
	s1 =	ssub.s32 $0x1000, s2  }
0x7: {  	s8 =	simm.s32 $0x8000;
	s13 =	simm.s32 $0x0;
	s3 =	sand.u32 $0xF80, s1  }
0x8: {  	s9 =	simm.s32 $0x0;
	s5 =	sshrl.u32 s1, $0xC;
	p0 =	sne.s32 s3, $0x0  }
.Ltmp0:
0x9: {  	s1 =	rddreg [dreg:$0x2];
	s4 =	simm.s32 @!p0 $0x0;
	(pc) =	sbr.rel .LBB1_1-.Ltmp0, $4  }
0xa: {  	s11 =	simm.s32 $0x0;
	s3 =	rddreg [dreg:$0x1];
	s5 =	sadd.s32 s4, s5  }
0xb: {  	_ =	strace $0x8000004A;
	s4 =	simm.s32 $0x1;
	s5 =	smul.u32 $0xC8, s5  }
0xc: {  	s6 =	sadd.s32 $0xA00, s6;
	s10 =	smov.u32 s2;
	[sflag:s4] =	ssyncpa.u1 $0x0  }
0xd: {  	p0 =	por $0x0, $0x0;
	[sflag:s7] =	ssyncpa.u1 $0x0;
	s7 =	sor.u32 $0x1, s5  }
.LBB1_4:
0xe: {  	s16 =	sshll.u32 s13, $0x3;
	s17 =	sand.u32 $0x78, s13  }
0xf: {  	s30 =	sand.u32 $0x3E00, s13;
	s12 =	sshll.u32 s12, $0xE;
	s16 =	sand.u32 $0xC00, s16  }
0x10: {  	s31 =	sand.u32 $0x7, s13;
	s16 =	sor.u32 s17, s16;
	s17 =	sadd.s32 s3, s30  }
0x11: {  	s13 =	sshll.u32 s31, $0x12;
	s16 =	sshrl.u32 s16, $0x3;
	s12 =	sadd.s32 s12, s17  }
0x12: {  	[tilespmem:s15+$0x0 ss:$0x81] =	vst.msk $0xffff, v0;
	s13 =	sor.u32 $0x400, s13;
	s12 =	sadd.s32 s16, s12  }
0x13: {  	[hbm4b:s12+s13] =	stream.strided.scatter [tilespmem:s14], [sflag:$0x2], $0x1000, s8, s13, $0x20;
	[tilespmem:$0x4040] =	vst v63  }
.LBB1_5:
0x14: {  	s14 =	sadd.s32 $0x1, s9  }
0x15: {  	s12 =	sadd.s32 $0x1000, s10;
	s16 =	smov.u32 s10;
	p2 =	sgt.s32 s14, $0xC7  }
0x16: {  	s16 =	smov.u32 @p2 s12  }
0x17: {  	s14 =	simm.s32 @p2 $0x0;
	p2 =	sgt.s32 s16, $0xFFF  }
0x18: {  	s16 =	smov.u32 @p2 s2;
	p2 =	sne.s32 s11, s7  }
.Ltmp1:
0x19: {  	p1 =	slt.u32 s11, $0x2;
	(pc) =	sbr.rel @!p2 .LBB1_6-.Ltmp1, $4  }
0x1a: {  	s15 =	simm.s32 @!p1 $0x2  }
0x1b: {  	s13 =	smov.u32 s10;
	p0 =	por !p0, !p0;
	_ =	swait.ge @!p1 [sflag:s15], $0x1000  }
0x1c: {  	s12 =	smov.u32 s9;
	[sflag:s15] =	ssyncset.done @!p1 $0x0;
	s9 =	smov.u32 s14  }
0x1d: {  	s11 =	sadd.s32 $0x1, s11;
	[sflag:s15] =	ssyncadd.s32 @!p1 $0xFFFFF000;
	s10 =	smov.u32 s16  }
.LBB1_1:
0x1e: {  	p1 =	sge.u32 s11, s5  }
0x1f: {  	s14 =	sand.u32 @!p1 $0x1FFFFFF, s9  }
0x20: {  	s15 =	smulhi.u32 @!p1 $0x147AE15, s14;
	_ =	sdelay $0x1  }
0x21: {  	s15 =	smul.u32 @!p1 $0xC8, s15  }
0x22: {  	s16 =	sxor.u32 @!p1 $0xFFFFFFFF, s11;
	s17 =	smul.u32 @!p1 $0xC80, s10  }
0x23: {  	s31 =	sadd.s32 $0xFFFFFFFF, s11;
	s16 =	sshll.u32 @!p1 s16, $0xC;
	s14 =	ssub.s32 @!p1 s14, s15  }
0x24: {  	s15 =	sand.u32 @!p1 $0x1000, s16;
	s16 =	sadd.s32 @!p1 s6, s17;
	s14 =	sshll.u32 @!p1 s14, $0x4  }
0x25: {  	s17 =	simm.s32 @!p1 $0x6400;
	s14 =	sadd.s32 @!p1 s14, s16;
	s16 =	simm.s32 @!p1 $0x20  }
0x26: {  	[tilespmem:s15], [sflag:$0x1] =	stream.strided.gather @!p1 [hbm4b:s14+s16], $0x1000, s17, s16, $0x38;
	[tilespmem:$0x4040] =	vst v63  }
0x27: {  	p1 =	sge.u32 s31, s5  }
.Ltmp2:
0x28: {  	_ = 	snop;
	(pc) =	sbr.rel @p1 .LBB1_5-.Ltmp2, $1  }
0x29: {  	_ =	sdelay $0x3  }
0x2a: {  	s14 =	simm.s32 $0x1  }
0x2b: {  	_ =	swait.ge [sflag:s4], $0x1000;
	s14 =	simm.s32 @!p0 $0x0  }
0x2c: {  	[sflag:s4] =	ssyncset.done $0x0;
	s15 =	sshll.u32 s14, $0xC  }
0x2d: {  	[sflag:s4] =	ssyncadd.s32 $0xFFFFF000;
	s18 =	sor.u32 $0x10, s15  }
0x2e: {  	s14 =	smul.u32 $0x4080, s14;
	v1 =	vld [tilespmem:s18+$0x0]  }
0x2f: {  	s30 =	sand.u32 $0x1, s11;
	v0 =	vld [tilespmem:s18+$0xFFFFFFF0]  }
0x30: {  	s15 =	smul.u32 $0x4080, s30;
	s14 =	sshrl.u32 s14, $0x2  }
0x31: {  	s16 =	sor.u32 $0x2000, s14  }
0x32: {  	s31 =	sshrl.u32 s15, $0x2;
	s15 =	sadd.s32 $0x0, s16  }
0x33: {  	s17 =	simm.s32 $0x4;
	s18 =	sadd.s32 $0x20, s18;
	s14 =	sor.u32 $0x2000, s31;
	[tilespmem:s15+$0x810 ss:$0x81] =	vst.msk $0xffff, v1  }
.LBB1_3:
0x34: {  	v1 =	vld [tilespmem:s18+$0x0];
	p1 =	sne.s32 s17, $0x1FC;
	[tilespmem:s15+$0x0 ss:$0x81] =	vst.msk $0xffff, v0;
	s15 =	smov.u32 s17;
	s17 =	sadd.s32 $0x4, s17  }
.Ltmp3:
0x35: {  	v0 =	vld [tilespmem:s18+$0xFFFFFFF0];
	(pc) =	sbr.rel @p1 .LBB1_3-.Ltmp3, $4  }
0x36: {  	_ = 	snop  }
0x37: {  	s15 =	sshra.s32 s15, $0x2  }
0x38: {  	s15 =	sadd.s32 s15, s16  }
0x39: {  	s18 =	sadd.s32 $0x20, s18;
	[tilespmem:s15+$0x810 ss:$0x81] =	vst.msk $0xffff, v1  }
.Ltmp4:
0x3a: {  	_ = 	snop;
	(pc) =	sbr.rel .LBB1_4-.Ltmp4, $1  }
0x3b: {  	_ =	sdelay $0x3  }
.LBB1_6:
0x3c: {  	_ =	sfence.sel $0x180000  }
0x3d: {  	s2 =	simm.s32 $0x1;
	[bflag:$0x0] =	sbarrier.arrive $0xFFFF  }
0x3e: {  	s31 =	simm.s32 $0x2;
	[sflag:s2] =	ssyncpa.u1 $0x1  }
0x3f: {  	[sflag:s31] =	ssyncpa.u1 $0x1  }
0x40: {  	p0 =	sne.s32 s0, $0x0;
	_ =	strace $0x9000004A  }
0x41: {  	s0 =	sadd.s32 @!p0 $0x100000, s1;
	[bflag:$0x2] =	sbarrier.arrive $0xFFFF  }
0x42: {  	[sflag:s0] =	ssyncadd.tile.s32 @!p0 $0x1;
	_ =	shalt  }
.Lfunc_end1:
_tile_overlayer_lowered:
.L_overlay_start_2:
0x43: {  	(tag) =	ssettag $0x2  }
0x44: {  	s0 =	rddreg [dreg:$0x0];
	s2 =	stileid.u32  }
0x45: {  	s1 =	rddreg [dreg:$0x1];
	p0 =	sne.s32 s2, $0x0  }
0x46: {  	s3 =	rddreg [dreg:$0x2];
	[bflag:$0x3] =	sbarrier.arrive $0xFFFF;
	s2 =	simm.s32 @!p0 $0x1C01  }
0x47: {  	[timem:s3], [sflag:s2] =	dma.local @!p0 [hbm:s0], s1  }
0x48: {  	s0 =	simm.s32 @!p0 $0x1  }
0x49: {  	_ =	swait.ge @!p0 [sflag:s0], s1  }
0x4a: {  	s1 =	ssub.s32 @!p0 $0x0, s1;
	[sflag:s0] =	ssyncset.done @!p0 $0x0  }
0x4b: {  	[sflag:s0] =	ssyncadd.s32 @!p0 s1  }
0x4c: {  	[bflag:$0x3] =	sbarrier.arrive $0xFFFF  }
0x4d: {  	_ =	shalt  }

</sc_bundles>
